<compile_context>
chip_gen: v7x
topology: tpu7x:2x2x1
jax: 0.10.2.dev20260603
libtpu: 0.0.44.dev20260713+nightly
codegen_flags: <defaults>
</compile_context>

<pallas_src>
import functools

import jax
import jax.numpy as jnp
from jax import lax
from jax.experimental import pallas as pl
from jax.experimental.pallas import tpu as pltpu
from jax.experimental.pallas import tpu_sc as plsc

NUM_CLASSES = 8192
FEAT_DIM = 128
BATCH = 4096
TEMP = 0.1

_NC = 2
_NS = 16
_NW = _NC * _NS
_ROWS_PER_W = NUM_CLASSES // _NW
_CHUNK = 128
_SEL_PAD = BATCH + 16


def _rsqrt_newton(x):
  i = plsc.bitcast(x, jnp.int32)
  i = jnp.int32(0x5F3759DF) - lax.shift_right_arithmetic(i, jnp.int32(1))
  y = plsc.bitcast(i, jnp.float32)
  half = jnp.float32(0.5) * x
  for _ in range(4):
    y = y * (jnp.float32(1.5) - half * y * y)
  return y


def _sc_ema_body(feat_hbm, lab_hbm, proto_hbm, out_hbm,
                 lab_v, sel_idx, sel_lab, proto_v, feat_v, sem):
  wid = lax.axis_index("s") * _NC + lax.axis_index("c")
  lo = wid * _ROWS_PER_W

  pltpu.sync_copy(lab_hbm, lab_v)
  pltpu.sync_copy(proto_hbm.at[pl.ds(lo, _ROWS_PER_W), :], proto_v)

  zeros16 = jnp.zeros((16,), jnp.int32)
  def zero_body(j, _):
    sel_idx[pl.ds(j * 16, 16)] = zeros16
    return _
  lax.fori_loop(0, _SEL_PAD // 16, zero_body, None)

  lane = lax.broadcasted_iota(jnp.int32, (16,), 0)
  def compact_body(j, cnt):
    lv = lab_v[pl.ds(j * 16, 16)]
    m = (lv >= lo) & (lv < lo + _ROWS_PER_W)
    dest = cnt + plsc.cumsum(m.astype(jnp.int32)) - 1
    plsc.store_scatter(sel_idx, [dest], j * 16 + lane, mask=m)
    plsc.store_scatter(sel_lab, [dest], lv, mask=m)
    return cnt + plsc.all_reduce_population_count(m)[0]
  total = lax.fori_loop(0, BATCH // 16, compact_body, jnp.int32(0))

  def chunk_body(b, _):
    base = b * _CHUNK
    pltpu.async_copy(
        feat_hbm.at[sel_idx.at[pl.ds(base, _CHUNK)]], feat_v, sem
    ).wait()

    def samp_body(s, _):
      g = s - base
      c_loc = sel_lab[pl.ds(s, 16)][0] - lo
      rows = []
      ss = jnp.zeros((16,), jnp.float32)
      for j in range(FEAT_DIM // 16):
        p = proto_v[c_loc, pl.ds(16 * j, 16)]
        f = feat_v[g, pl.ds(16 * j, 16)]
        r = jnp.float32(0.5) * p + jnp.float32(0.5) * f
        rows.append(r)
        ss = ss + r * r
      ssx = jnp.maximum(jnp.full((16,), lax.reduce_sum(ss, axes=(0,))),
                        jnp.float32(1e-24))
      scale = _rsqrt_newton(ssx)
      for j in range(FEAT_DIM // 16):
        proto_v[c_loc, pl.ds(16 * j, 16)] = rows[j] * scale
      return _

    lax.fori_loop(base, jnp.minimum(total, base + _CHUNK), samp_body, None)
    return _

  nchunks = (total + _CHUNK - 1) // _CHUNK
  lax.fori_loop(0, nchunks, chunk_body, None)

  pltpu.sync_copy(proto_v, out_hbm.at[pl.ds(lo, _ROWS_PER_W), :])


@functools.cache
def _build_sc_ema():
  return pl.kernel(
      _sc_ema_body,
      out_type=jax.ShapeDtypeStruct((NUM_CLASSES, FEAT_DIM), jnp.float32),
      mesh=plsc.VectorSubcoreMesh(
          core_axis_name="c", subcore_axis_name="s",
          num_cores=_NC, num_subcores=_NS),
      compiler_params=pltpu.CompilerParams(needs_layout_passes=False),
      scratch_types=[
          pltpu.VMEM((BATCH,), jnp.int32),
          pltpu.VMEM((_SEL_PAD,), jnp.int32),
          pltpu.VMEM((_SEL_PAD,), jnp.int32),
          pltpu.VMEM((_ROWS_PER_W, FEAT_DIM), jnp.float32),
          pltpu.VMEM((_CHUNK, FEAT_DIM), jnp.float32),
          pltpu.SemaphoreType.DMA,
      ],
  )


_BI = 256
_BJ = 1024


def _loss_body(pi_ref, p_ref, out_ref):
  i = pl.program_id(0)
  pi = pi_ref[...]
  acc = jnp.zeros((_BI,), jnp.float32)
  for j in range(NUM_CLASSES // _BJ):
    pj = p_ref[pl.ds(j * _BJ, _BJ), :]
    logits = lax.dot_general(
        pi, pj, (((1,), (1,)), ((), ())),
        preferred_element_type=jnp.float32) / TEMP
    acc = acc + jnp.sum(jnp.exp(logits), axis=1)
  ssq = jnp.sum(pi * pi, axis=1)
  neg = acc - jnp.exp(ssq / TEMP)
  part = jnp.sum(jnp.log(neg / float(NUM_CLASSES - 1)))

  @pl.when(i == 0)
  def _():
    out_ref[0, 0] = 0.0

  out_ref[0, 0] += part

  @pl.when(i == NUM_CLASSES // _BI - 1)
  def _():
    out_ref[0, 0] = out_ref[0, 0] / float(NUM_CLASSES)


_loss_call = pl.pallas_call(
    _loss_body,
    grid=(NUM_CLASSES // _BI,),
    in_specs=[
        pl.BlockSpec((_BI, FEAT_DIM), lambda i: (i, 0)),
        pl.BlockSpec((NUM_CLASSES, FEAT_DIM), lambda i: (0, 0)),
    ],
    out_specs=pl.BlockSpec(memory_space=pltpu.SMEM),
    out_shape=jax.ShapeDtypeStruct((1, 1), jnp.float32),
)


@jax.jit
def kernel(features, labels, prototypes):
  proto = _build_sc_ema()(features, labels, prototypes)
  loss = _loss_call(proto, proto)
  return loss[0, 0]

# --- scband reference (transcript-rebuilt; emitter-appended) ---
"""Pipeline reference for scband-dis-loss-45767171506360 (READ-ONLY COPY).

The authoritative reference and input builder live on the scoring server;
editing this copy changes nothing except your own understanding.
"""

import jax, jax.numpy as jnp
import numpy as np

NUM_CLASSES = 8192
FEAT_DIM = 128
BATCH = 4096
TEMPERATURE = 0.1
BASE_TEMPERATURE = 0.1
PROTO_M = 0.5


def setup_inputs(seed: int = 0) -> dict:
    key = jax.random.key(seed)
    k1, k2 = jax.random.split(key)
    features = jax.random.normal(k1, (BATCH, FEAT_DIM), dtype=jnp.float32)
    labels = jax.random.randint(k2, (BATCH,), 0, NUM_CLASSES, dtype=jnp.int32)
    # learned/buffer state: prototypes buffer initialized to zeros as in register_buffer
    prototypes = jnp.zeros((NUM_CLASSES, FEAT_DIM), dtype=jnp.float32)
    return {"features": features, "labels": labels, "prototypes": prototypes}


def reference(features, labels, prototypes):
    # Sequential per-sample EMA prototype update (order-dependent, faithful to the python loop)
    def body(proto, xs):
        f, c = xs
        row = proto[c] * PROTO_M + f * (1.0 - PROTO_M)
        norm = jnp.sqrt(jnp.sum(row * row))
        row = row / jnp.maximum(norm, 1e-12)  # F.normalize(dim=0)
        proto = proto.at[c].set(row)
        return proto, None

    proto, _ = jax.lax.scan(body, prototypes, (features, labels))

    logits = jnp.matmul(proto, proto.T) / TEMPERATURE
    mask = jnp.ones_like(logits) - jnp.eye(NUM_CLASSES, dtype=logits.dtype)
    mean_prob_neg = jnp.log(jnp.sum(mask * jnp.exp(logits), axis=1) / jnp.sum(mask, axis=1))
    # torch code drops NaN entries before the mean -> nanmean is the faithful equivalent
    loss = (TEMPERATURE / BASE_TEMPERATURE) * jnp.nanmean(mean_prob_neg)
    return loss

if __name__ == "__main__":
    import jax
    _d = setup_inputs()
    print(jax.jit(kernel)(*tuple(_d.values())))

</pallas_src>

<mosaic_0001>
#map = affine_map<(d0, d1) -> (0, 0)>
#map1 = affine_map<(d0, d1) -> (0)>
module attributes {stable_mosaic.version = 14 : i64} {
  func.func @_sc_ema_body(%arg0: i32, %arg1: i32, %arg2: memref<4096x128xf32, #tpu.memory_space<hbm>>, %arg3: memref<4096xi32, #tpu.memory_space<hbm>>, %arg4: memref<8192x128xf32, #tpu.memory_space<hbm>>, %arg5: memref<8192x128xf32, #tpu.memory_space<hbm>>, %arg6: memref<4096xi32, #tpu.memory_space<vmem>>, %arg7: memref<4112xi32, #tpu.memory_space<vmem>>, %arg8: memref<4112xi32, #tpu.memory_space<vmem>>, %arg9: memref<256x128xf32, #tpu.memory_space<vmem>>, %arg10: memref<128x128xf32, #tpu.memory_space<vmem>>, %arg11: memref<!tpu.dma_semaphore, #tpu.memory_space<semaphore_mem>>) attributes {dimension_semantics = [#tpu.dimension_semantics<core_parallel>, #tpu.dimension_semantics<subcore_parallel>], iteration_bounds = array<i64: 2, 16>, scalar_prefetch = 0 : i64, scratch_operands = 6 : i64, tpu.core_type = #tpu.core_type<sc_vector_subcore>, window_params = [{transform_indices = #map}, {transform_indices = #map1}, {transform_indices = #map}, {transform_indices = #map}]} {
    %mul3A = arith.constant 2 : i32
    %mul3A_0 = arith.muli %arg1, %mul3A : i32
    %add3A = arith.addi %mul3A_0, %arg0 : i32
    %mul3A_1 = arith.constant 256 : i32
    %mul3A_2 = arith.muli %add3A, %mul3A_1 : i32
    "tpu.region"() ({
      %run_scoped3A = tpu.sem_alloc : memref<!tpu.dma_semaphore, #tpu.memory_space<semaphore_mem>>
      tpu.enqueue_dma source(%arg3 : memref<4096xi32, #tpu.memory_space<hbm>>) target(%arg6 : memref<4096xi32, #tpu.memory_space<vmem>>) target_semaphore(%run_scoped3A : memref<!tpu.dma_semaphore, #tpu.memory_space<semaphore_mem>>)
      tpu.wait_dma2 semaphore(%run_scoped3A : memref<!tpu.dma_semaphore, #tpu.memory_space<semaphore_mem>>) src(%arg3 : memref<4096xi32, #tpu.memory_space<hbm>>) dst(%arg6 : memref<4096xi32, #tpu.memory_space<vmem>>)
      tpu.yield
    }) : () -> ()
    "tpu.region"() ({
      %run_scoped3A = tpu.sem_alloc : memref<!tpu.dma_semaphore, #tpu.memory_space<semaphore_mem>>
      %dma_start3A = arith.constant 0 : i32
      %dma_start3A_43 = tpu.memref_slice %arg4[%mul3A_2, %dma_start3A] : memref<8192x128xf32, #tpu.memory_space<hbm>> -> memref<256x128xf32, #tpu.memory_space<hbm>>
      %dma_start3A_44 = arith.constant 0 : i32
      %dma_start3A_45 = tpu.memref_slice %arg4[%mul3A_2, %dma_start3A_44] : memref<8192x128xf32, #tpu.memory_space<hbm>> -> memref<256x128xf32, #tpu.memory_space<hbm>>
      tpu.enqueue_dma source(%dma_start3A_45 : memref<256x128xf32, #tpu.memory_space<hbm>>) target(%arg9 : memref<256x128xf32, #tpu.memory_space<vmem>>) target_semaphore(%run_scoped3A : memref<!tpu.dma_semaphore, #tpu.memory_space<semaphore_mem>>)
      %dma_wait3A = arith.constant 0 : i32
      %dma_wait3A_46 = tpu.memref_slice %arg4[%mul3A_2, %dma_wait3A] : memref<8192x128xf32, #tpu.memory_space<hbm>> -> memref<256x128xf32, #tpu.memory_space<hbm>>
      %dma_wait3A_47 = arith.constant 0 : i32
      %dma_wait3A_48 = tpu.memref_slice %arg4[%mul3A_2, %dma_wait3A_47] : memref<8192x128xf32, #tpu.memory_space<hbm>> -> memref<256x128xf32, #tpu.memory_space<hbm>>
      tpu.wait_dma2 semaphore(%run_scoped3A : memref<!tpu.dma_semaphore, #tpu.memory_space<semaphore_mem>>) src(%dma_wait3A_48 : memref<256x128xf32, #tpu.memory_space<hbm>>) dst(%arg9 : memref<256x128xf32, #tpu.memory_space<vmem>>)
      tpu.yield
    }) : () -> ()
    %broadcast_in_dim3A = arith.constant 0 : i32
    %broadcast_in_dim3A_3 = vector.broadcast %broadcast_in_dim3A : i32 to vector<16xi32>
    %scan3A = arith.constant 0 : i32
    %scan3A_4 = arith.constant 257 : i32
    %scan3A_5 = arith.addi %scan3A, %scan3A_4 : i32
    %scan3A_6 = arith.constant 1 : i32
    scf.for %scan3A_43 = %scan3A to %scan3A_5 step %scan3A_6  : i32 {
      %mul3A_44 = arith.constant 16 : i32
      %mul3A_45 = arith.muli %scan3A_43, %mul3A_44 : i32
      %swap3A = arith.index_cast %mul3A_45 : i32 to index
      %swap3A_46 = tpu.vector_load %arg7[%swap3A] {strides = array<i32>} : memref<4112xi32, #tpu.memory_space<vmem>>, vector<16xi32>,
      tpu.vector_store %arg7[%swap3A], %broadcast_in_dim3A_3 {strides = array<i32>} : memref<4112xi32, #tpu.memory_space<vmem>>, vector<16xi32>,
    }
    %scan3A_7 = arith.constant 257 : i32
    %iota3A = tpu.iota {dimensions = array<i32: 0>} : vector<16xi32>
    %scan3A_8 = arith.constant 0 : i32
    %scan3A_9 = arith.constant 0 : i32
    %scan3A_10 = arith.constant 256 : i32
    %scan3A_11 = arith.addi %scan3A_9, %scan3A_10 : i32
    %scan3A_12 = arith.constant 1 : i32
    %scan3A_13 = scf.for %scan3A_43 = %scan3A_9 to %scan3A_11 step %scan3A_12 iter_args(%scan3A_44 = %scan3A_8) -> (i32)  : i32 {
      %mul3A_45 = arith.constant 16 : i32
      %mul3A_46 = arith.muli %scan3A_43, %mul3A_45 : i32
      %get3A = arith.index_cast %mul3A_46 : i32 to index
      %get3A_47 = tpu.vector_load %arg6[%get3A] {strides = array<i32>} : memref<4096xi32, #tpu.memory_space<vmem>>, vector<16xi32>,
      %ge3A = vector.broadcast %mul3A_2 : i32 to vector<16xi32>
      %ge3A_48 = arith.cmpi sge, %get3A_47, %ge3A : vector<16xi32>
      %add3A_49 = arith.constant 256 : i32
      %add3A_50 = arith.addi %mul3A_2, %add3A_49 : i32
      %lt3A = vector.broadcast %add3A_50 : i32 to vector<16xi32>
      %lt3A_51 = arith.cmpi slt, %get3A_47, %lt3A : vector<16xi32>
      %and3A_52 = arith.andi %ge3A_48, %lt3A_51 : vector<16xi1>
      %convert_element_type3A = arith.extui %and3A_52 : vector<16xi1> to vector<16xi32>
      %broadcast_in_dim3A_53 = arith.constant true
      %broadcast_in_dim3A_54 = vector.broadcast %broadcast_in_dim3A_53 : i1 to vector<16xi1>
      %masked_cumsum3A = tpu.scan <sum>, %convert_element_type3A masked %broadcast_in_dim3A_54 : vector<16xi32>, vector<16xi1> -> vector<16xi32>
      %add3A_55 = vector.broadcast %scan3A_44 : i32 to vector<16xi32>
      %add3A_56 = arith.addi %add3A_55, %masked_cumsum3A : vector<16xi32>
      %sub3A_57 = arith.constant 1 : i32
      %sub3A_58 = vector.broadcast %sub3A_57 : i32 to vector<16xi32>
      %sub3A_59 = arith.subi %add3A_56, %sub3A_58 : vector<16xi32>
      %mul3A_60 = arith.constant 16 : i32
      %mul3A_61 = arith.muli %scan3A_43, %mul3A_60 : i32
      %add3A_62 = vector.broadcast %mul3A_61 : i32 to vector<16xi32>
      %add3A_63 = arith.addi %add3A_62, %iota3A : vector<16xi32>
      tpu.vector_store_idx %arg7[%sub3A_59], %add3A_63 masked %and3A_52 : memref<4112xi32, #tpu.memory_space<vmem>>[vector<16xi32>], vector<16xi32>, vector<16xi1>
      tpu.vector_store_idx %arg8[%sub3A_59], %get3A_47 masked %and3A_52 : memref<4112xi32, #tpu.memory_space<vmem>>[vector<16xi32>], vector<16xi32>, vector<16xi1>
      %all_reduce_population_count3A = tpu.all_reduce %and3A_52 {dim = 0 : i64, kind = #tpu.reduction_kind<sum>} : vector<16xi1> -> vector<16xi32>
      %slice3A = vector.extract_strided_slice %all_reduce_population_count3A {offsets = [0], sizes = [1], strides = [1]} : vector<16xi32> to vector<1xi32>
      %squeeze3A = vector.extract %slice3A[0] : i32 from vector<1xi32>
      %add3A_64 = arith.addi %scan3A_44, %squeeze3A : i32
      scf.yield %add3A_64 : i32
    }
    %scan3A_14 = arith.constant 256 : i32
    %add3A_15 = arith.constant 128 : i32
    %add3A_16 = arith.addi %scan3A_13, %add3A_15 : i32
    %sub3A = arith.constant 1 : i32
    %sub3A_17 = arith.subi %add3A_16, %sub3A : i32
    %jit3A = arith.constant 128 : i32
    %div3A = arith.divsi %sub3A_17, %jit3A : i32
    %sign3A = arith.constant 0 : i32
    %sign3A_18 = arith.cmpi sgt, %sub3A_17, %sign3A : i32
    %sign3A_19 = arith.extui %sign3A_18 : i1 to i32
    %sign3A_20 = arith.constant 0 : i32
    %sign3A_21 = arith.cmpi slt, %sub3A_17, %sign3A_20 : i32
    %sign3A_22 = arith.extui %sign3A_21 : i1 to i32
    %sign3A_23 = arith.subi %sign3A_19, %sign3A_22 : i32
    %sign3A_24 = arith.constant 0 : i32
    %sign3A_25 = arith.cmpi sgt, %jit3A, %sign3A_24 : i32
    %sign3A_26 = arith.extui %sign3A_25 : i1 to i32
    %sign3A_27 = arith.constant 0 : i32
    %sign3A_28 = arith.cmpi slt, %jit3A, %sign3A_27 : i32
    %sign3A_29 = arith.extui %sign3A_28 : i1 to i32
    %sign3A_30 = arith.subi %sign3A_26, %sign3A_29 : i32
    %ne3A = arith.cmpi ne, %sign3A_23, %sign3A_30 : i32
    %rem3A = arith.remsi %sub3A_17, %jit3A : i32
    %ne3A_31 = arith.constant 0 : i32
    %ne3A_32 = arith.cmpi ne, %rem3A, %ne3A_31 : i32
    %and3A = arith.andi %ne3A, %ne3A_32 : i1
    %sub3A_33 = arith.constant 1 : i32
    %sub3A_34 = arith.subi %div3A, %sub3A_33 : i32
    %select_n3A = arith.select %and3A, %sub3A_34, %div3A : i32
    %while3A = arith.constant 0 : i32
    %while3A_35 = arith.subi %select_n3A, %while3A : i32
    %while3A_36 = arith.addi %while3A, %while3A_35 : i32
    %while3A_37 = arith.constant 1 : i32
    %while3A_38 = arith.divsi %while3A_35, %while3A_37 : i32
    %while3A_39 = arith.muli %while3A_38, %while3A_37 : i32
    %while3A_40 = arith.addi %while3A, %while3A_39 : i32
    %while3A_41 = arith.constant 1 : i32
    scf.for %while3A_43 = %while3A to %while3A_40 step %while3A_41  : i32 {
      %mul3A_44 = arith.constant 128 : i32
      %mul3A_45 = arith.muli %while3A_43, %mul3A_44 : i32
      %dma_start3A = tpu.memref_slice %arg7[%mul3A_45] : memref<4112xi32, #tpu.memory_space<vmem>> -> memref<128xi32, #tpu.memory_space<vmem>>
      %dma_start3A_46 = arith.constant 0 : i32
      %dma_start3A_47 = arith.constant 0 : i32
      %dma_start3A_48 = tpu.memref_slice %arg2[%dma_start3A_46, %dma_start3A_47] : memref<4096x128xf32, #tpu.memory_space<hbm>> -> memref<4096x128xf32, #tpu.memory_space<hbm>>
      tpu.enqueue_indirect_dma source(%dma_start3A_48 : memref<4096x128xf32, #tpu.memory_space<hbm>>) target(%arg10 : memref<128x128xf32, #tpu.memory_space<vmem>>) offsets(%dma_start3A : memref<128xi32, #tpu.memory_space<vmem>>) semaphore(%arg11 : memref<!tpu.dma_semaphore, #tpu.memory_space<semaphore_mem>>)
      %dma_wait3A = tpu.memref_slice %arg7[%mul3A_45] : memref<4112xi32, #tpu.memory_space<vmem>> -> memref<128xi32, #tpu.memory_space<vmem>>
      %dma_wait3A_49 = arith.constant 0 : i32
      %dma_wait3A_50 = arith.constant 0 : i32
      %dma_wait3A_51 = tpu.memref_slice %arg2[%dma_wait3A_49, %dma_wait3A_50] : memref<4096x128xf32, #tpu.memory_space<hbm>> -> memref<4096x128xf32, #tpu.memory_space<hbm>>
      tpu.wait_indirect_dma semaphore(%arg11 : memref<!tpu.dma_semaphore, #tpu.memory_space<semaphore_mem>>) src(%dma_wait3A_51 : memref<4096x128xf32, #tpu.memory_space<hbm>>) dst(%arg10 : memref<128x128xf32, #tpu.memory_space<vmem>>)
      %add3A_52 = arith.constant 128 : i32
      %add3A_53 = arith.addi %mul3A_45, %add3A_52 : i32
      %min3A = arith.minsi %scan3A_13, %add3A_53 : i32
      %while3A_54 = arith.subi %min3A, %mul3A_45 : i32
      %while3A_55 = arith.addi %mul3A_45, %while3A_54 : i32
      %while3A_56 = arith.constant 1 : i32
      %while3A_57 = arith.divsi %while3A_54, %while3A_56 : i32
      %while3A_58 = arith.muli %while3A_57, %while3A_56 : i32
      %while3A_59 = arith.addi %mul3A_45, %while3A_58 : i32
      %while3A_60 = arith.constant 1 : i32
      scf.for %while3A_62 = %mul3A_45 to %while3A_59 step %while3A_60  : i32 {
        %sub3A_63 = arith.subi %while3A_62, %mul3A_45 : i32
        %get3A = arith.index_cast %while3A_62 : i32 to index
        %get3A_64 = tpu.vector_load %arg8[%get3A] {strides = array<i32>} : memref<4112xi32, #tpu.memory_space<vmem>>, vector<16xi32>,
        %slice3A = vector.extract_strided_slice %get3A_64 {offsets = [0], sizes = [1], strides = [1]} : vector<16xi32> to vector<1xi32>
        %squeeze3A = vector.extract %slice3A[0] : i32 from vector<1xi32>
        %sub3A_65 = arith.subi %squeeze3A, %mul3A_2 : i32
        %broadcast_in_dim3A_66 = arith.constant 0.000000e+00 : f32
        %broadcast_in_dim3A_67 = vector.broadcast %broadcast_in_dim3A_66 : f32 to vector<16xf32>
        %get3A_68 = arith.index_cast %sub3A_65 : i32 to index
        %get3A_69 = arith.constant 0 : index
        %get3A_70 = tpu.vector_load %arg9[%get3A_68, %get3A_69] {strides = array<i32>} : memref<256x128xf32, #tpu.memory_space<vmem>>, vector<16xf32>,
        %get3A_71 = arith.index_cast %sub3A_63 : i32 to index
        %get3A_72 = arith.constant 0 : index
        %get3A_73 = tpu.vector_load %arg10[%get3A_71, %get3A_72] {strides = array<i32>} : memref<128x128xf32, #tpu.memory_space<vmem>>, vector<16xf32>,
        %mul3A_74 = arith.constant 5.000000e-01 : f32
        %mul3A_75 = vector.broadcast %mul3A_74 : f32 to vector<16xf32>
        %mul3A_76 = arith.mulf %mul3A_75, %get3A_70 : vector<16xf32>
        %mul3A_77 = arith.constant 5.000000e-01 : f32
        %mul3A_78 = vector.broadcast %mul3A_77 : f32 to vector<16xf32>
        %mul3A_79 = arith.mulf %mul3A_78, %get3A_73 : vector<16xf32>
        %add3A_80 = arith.addf %mul3A_76, %mul3A_79 : vector<16xf32>
        %mul3A_81 = arith.mulf %add3A_80, %add3A_80 : vector<16xf32>
        %add3A_82 = arith.addf %broadcast_in_dim3A_67, %mul3A_81 : vector<16xf32>
        %get3A_83 = arith.index_cast %sub3A_65 : i32 to index
        %get3A_84 = arith.constant 16 : index
        %get3A_85 = tpu.vector_load %arg9[%get3A_83, %get3A_84] {strides = array<i32>} : memref<256x128xf32, #tpu.memory_space<vmem>>, vector<16xf32>,
        %get3A_86 = arith.index_cast %sub3A_63 : i32 to index
        %get3A_87 = arith.constant 16 : index
        %get3A_88 = tpu.vector_load %arg10[%get3A_86, %get3A_87] {strides = array<i32>} : memref<128x128xf32, #tpu.memory_space<vmem>>, vector<16xf32>,
        %mul3A_89 = arith.constant 5.000000e-01 : f32
        %mul3A_90 = vector.broadcast %mul3A_89 : f32 to vector<16xf32>
        %mul3A_91 = arith.mulf %mul3A_90, %get3A_85 : vector<16xf32>
        %mul3A_92 = arith.constant 5.000000e-01 : f32
        %mul3A_93 = vector.broadcast %mul3A_92 : f32 to vector<16xf32>
        %mul3A_94 = arith.mulf %mul3A_93, %get3A_88 : vector<16xf32>
        %add3A_95 = arith.addf %mul3A_91, %mul3A_94 : vector<16xf32>
        %mul3A_96 = arith.mulf %add3A_95, %add3A_95 : vector<16xf32>
        %add3A_97 = arith.addf %add3A_82, %mul3A_96 : vector<16xf32>
        %get3A_98 = arith.index_cast %sub3A_65 : i32 to index
        %get3A_99 = arith.constant 32 : index
        %get3A_100 = tpu.vector_load %arg9[%get3A_98, %get3A_99] {strides = array<i32>} : memref<256x128xf32, #tpu.memory_space<vmem>>, vector<16xf32>,
        %get3A_101 = arith.index_cast %sub3A_63 : i32 to index
        %get3A_102 = arith.constant 32 : index
        %get3A_103 = tpu.vector_load %arg10[%get3A_101, %get3A_102] {strides = array<i32>} : memref<128x128xf32, #tpu.memory_space<vmem>>, vector<16xf32>,
        %mul3A_104 = arith.constant 5.000000e-01 : f32
        %mul3A_105 = vector.broadcast %mul3A_104 : f32 to vector<16xf32>
        %mul3A_106 = arith.mulf %mul3A_105, %get3A_100 : vector<16xf32>
        %mul3A_107 = arith.constant 5.000000e-01 : f32
        %mul3A_108 = vector.broadcast %mul3A_107 : f32 to vector<16xf32>
        %mul3A_109 = arith.mulf %mul3A_108, %get3A_103 : vector<16xf32>
        %add3A_110 = arith.addf %mul3A_106, %mul3A_109 : vector<16xf32>
        %mul3A_111 = arith.mulf %add3A_110, %add3A_110 : vector<16xf32>
        %add3A_112 = arith.addf %add3A_97, %mul3A_111 : vector<16xf32>
        %get3A_113 = arith.index_cast %sub3A_65 : i32 to index
        %get3A_114 = arith.constant 48 : index
        %get3A_115 = tpu.vector_load %arg9[%get3A_113, %get3A_114] {strides = array<i32>} : memref<256x128xf32, #tpu.memory_space<vmem>>, vector<16xf32>,
        %get3A_116 = arith.index_cast %sub3A_63 : i32 to index
        %get3A_117 = arith.constant 48 : index
        %get3A_118 = tpu.vector_load %arg10[%get3A_116, %get3A_117] {strides = array<i32>} : memref<128x128xf32, #tpu.memory_space<vmem>>, vector<16xf32>,
        %mul3A_119 = arith.constant 5.000000e-01 : f32
        %mul3A_120 = vector.broadcast %mul3A_119 : f32 to vector<16xf32>
        %mul3A_121 = arith.mulf %mul3A_120, %get3A_115 : vector<16xf32>
        %mul3A_122 = arith.constant 5.000000e-01 : f32
        %mul3A_123 = vector.broadcast %mul3A_122 : f32 to vector<16xf32>
        %mul3A_124 = arith.mulf %mul3A_123, %get3A_118 : vector<16xf32>
        %add3A_125 = arith.addf %mul3A_121, %mul3A_124 : vector<16xf32>
        %mul3A_126 = arith.mulf %add3A_125, %add3A_125 : vector<16xf32>
        %add3A_127 = arith.addf %add3A_112, %mul3A_126 : vector<16xf32>
        %get3A_128 = arith.index_cast %sub3A_65 : i32 to index
        %get3A_129 = arith.constant 64 : index
        %get3A_130 = tpu.vector_load %arg9[%get3A_128, %get3A_129] {strides = array<i32>} : memref<256x128xf32, #tpu.memory_space<vmem>>, vector<16xf32>,
        %get3A_131 = arith.index_cast %sub3A_63 : i32 to index
        %get3A_132 = arith.constant 64 : index
        %get3A_133 = tpu.vector_load %arg10[%get3A_131, %get3A_132] {strides = array<i32>} : memref<128x128xf32, #tpu.memory_space<vmem>>, vector<16xf32>,
        %mul3A_134 = arith.constant 5.000000e-01 : f32
        %mul3A_135 = vector.broadcast %mul3A_134 : f32 to vector<16xf32>
        %mul3A_136 = arith.mulf %mul3A_135, %get3A_130 : vector<16xf32>
        %mul3A_137 = arith.constant 5.000000e-01 : f32
        %mul3A_138 = vector.broadcast %mul3A_137 : f32 to vector<16xf32>
        %mul3A_139 = arith.mulf %mul3A_138, %get3A_133 : vector<16xf32>
        %add3A_140 = arith.addf %mul3A_136, %mul3A_139 : vector<16xf32>
        %mul3A_141 = arith.mulf %add3A_140, %add3A_140 : vector<16xf32>
        %add3A_142 = arith.addf %add3A_127, %mul3A_141 : vector<16xf32>
        %get3A_143 = arith.index_cast %sub3A_65 : i32 to index
        %get3A_144 = arith.constant 80 : index
        %get3A_145 = tpu.vector_load %arg9[%get3A_143, %get3A_144] {strides = array<i32>} : memref<256x128xf32, #tpu.memory_space<vmem>>, vector<16xf32>,
        %get3A_146 = arith.index_cast %sub3A_63 : i32 to index
        %get3A_147 = arith.constant 80 : index
        %get3A_148 = tpu.vector_load %arg10[%get3A_146, %get3A_147] {strides = array<i32>} : memref<128x128xf32, #tpu.memory_space<vmem>>, vector<16xf32>,
        %mul3A_149 = arith.constant 5.000000e-01 : f32
        %mul3A_150 = vector.broadcast %mul3A_149 : f32 to vector<16xf32>
        %mul3A_151 = arith.mulf %mul3A_150, %get3A_145 : vector<16xf32>
        %mul3A_152 = arith.constant 5.000000e-01 : f32
        %mul3A_153 = vector.broadcast %mul3A_152 : f32 to vector<16xf32>
        %mul3A_154 = arith.mulf %mul3A_153, %get3A_148 : vector<16xf32>
        %add3A_155 = arith.addf %mul3A_151, %mul3A_154 : vector<16xf32>
        %mul3A_156 = arith.mulf %add3A_155, %add3A_155 : vector<16xf32>
        %add3A_157 = arith.addf %add3A_142, %mul3A_156 : vector<16xf32>
        %get3A_158 = arith.index_cast %sub3A_65 : i32 to index
        %get3A_159 = arith.constant 96 : index
        %get3A_160 = tpu.vector_load %arg9[%get3A_158, %get3A_159] {strides = array<i32>} : memref<256x128xf32, #tpu.memory_space<vmem>>, vector<16xf32>,
        %get3A_161 = arith.index_cast %sub3A_63 : i32 to index
        %get3A_162 = arith.constant 96 : index
        %get3A_163 = tpu.vector_load %arg10[%get3A_161, %get3A_162] {strides = array<i32>} : memref<128x128xf32, #tpu.memory_space<vmem>>, vector<16xf32>,
        %mul3A_164 = arith.constant 5.000000e-01 : f32
        %mul3A_165 = vector.broadcast %mul3A_164 : f32 to vector<16xf32>
        %mul3A_166 = arith.mulf %mul3A_165, %get3A_160 : vector<16xf32>
        %mul3A_167 = arith.constant 5.000000e-01 : f32
        %mul3A_168 = vector.broadcast %mul3A_167 : f32 to vector<16xf32>
        %mul3A_169 = arith.mulf %mul3A_168, %get3A_163 : vector<16xf32>
        %add3A_170 = arith.addf %mul3A_166, %mul3A_169 : vector<16xf32>
        %mul3A_171 = arith.mulf %add3A_170, %add3A_170 : vector<16xf32>
        %add3A_172 = arith.addf %add3A_157, %mul3A_171 : vector<16xf32>
        %get3A_173 = arith.index_cast %sub3A_65 : i32 to index
        %get3A_174 = arith.constant 112 : index
        %get3A_175 = tpu.vector_load %arg9[%get3A_173, %get3A_174] {strides = array<i32>} : memref<256x128xf32, #tpu.memory_space<vmem>>, vector<16xf32>,
        %get3A_176 = arith.index_cast %sub3A_63 : i32 to index
        %get3A_177 = arith.constant 112 : index
        %get3A_178 = tpu.vector_load %arg10[%get3A_176, %get3A_177] {strides = array<i32>} : memref<128x128xf32, #tpu.memory_space<vmem>>, vector<16xf32>,
        %mul3A_179 = arith.constant 5.000000e-01 : f32
        %mul3A_180 = vector.broadcast %mul3A_179 : f32 to vector<16xf32>
        %mul3A_181 = arith.mulf %mul3A_180, %get3A_175 : vector<16xf32>
        %mul3A_182 = arith.constant 5.000000e-01 : f32
        %mul3A_183 = vector.broadcast %mul3A_182 : f32 to vector<16xf32>
        %mul3A_184 = arith.mulf %mul3A_183, %get3A_178 : vector<16xf32>
        %add3A_185 = arith.addf %mul3A_181, %mul3A_184 : vector<16xf32>
        %mul3A_186 = arith.mulf %add3A_185, %add3A_185 : vector<16xf32>
        %add3A_187 = arith.addf %add3A_172, %mul3A_186 : vector<16xf32>
        %reduce_sum3A = arith.constant true
        %reduce_sum3A_188 = vector.broadcast %reduce_sum3A : i1 to vector<16xi1>
        %reduce_sum3A_189 = tpu.scan <sum>, %add3A_187 masked %reduce_sum3A_188 : vector<16xf32>, vector<16xi1> -> vector<16xf32>
        %reduce_sum3A_190 = vector.extract %reduce_sum3A_189[15] : f32 from vector<16xf32>
        %broadcast_in_dim3A_191 = vector.broadcast %reduce_sum3A_190 : f32 to vector<16xf32>
        %max3A = arith.constant 1.000000e-24 : f32
        %max3A_192 = vector.broadcast %max3A : f32 to vector<16xf32>
        %max3A_193 = arith.maximumf %broadcast_in_dim3A_191, %max3A_192 : vector<16xf32>
        %bitcast3A = vector.bitcast %max3A_193 : vector<16xf32> to vector<16xi32>
        %shift_right_arithmetic3A = arith.constant 1 : i32
        %shift_right_arithmetic3A_194 = vector.broadcast %shift_right_arithmetic3A : i32 to vector<16xi32>
        %shift_right_arithmetic3A_195 = arith.shrsi %bitcast3A, %shift_right_arithmetic3A_194 : vector<16xi32>
        %sub3A_196 = arith.constant 1597463007 : i32
        %sub3A_197 = vector.broadcast %sub3A_196 : i32 to vector<16xi32>
        %sub3A_198 = arith.subi %sub3A_197, %shift_right_arithmetic3A_195 : vector<16xi32>
        %bitcast3A_199 = vector.bitcast %sub3A_198 : vector<16xi32> to vector<16xf32>
        %mul3A_200 = arith.constant 5.000000e-01 : f32
        %mul3A_201 = vector.broadcast %mul3A_200 : f32 to vector<16xf32>
        %mul3A_202 = arith.mulf %mul3A_201, %max3A_193 : vector<16xf32>
        %mul3A_203 = arith.mulf %mul3A_202, %bitcast3A_199 : vector<16xf32>
        %mul3A_204 = arith.mulf %mul3A_203, %bitcast3A_199 : vector<16xf32>
        %sub3A_205 = arith.constant 1.500000e+00 : f32
        %sub3A_206 = vector.broadcast %sub3A_205 : f32 to vector<16xf32>
        %sub3A_207 = arith.subf %sub3A_206, %mul3A_204 : vector<16xf32>
        %mul3A_208 = arith.mulf %bitcast3A_199, %sub3A_207 : vector<16xf32>
        %mul3A_209 = arith.mulf %mul3A_202, %mul3A_208 : vector<16xf32>
        %mul3A_210 = arith.mulf %mul3A_209, %mul3A_208 : vector<16xf32>
        %sub3A_211 = arith.constant 1.500000e+00 : f32
        %sub3A_212 = vector.broadcast %sub3A_211 : f32 to vector<16xf32>
        %sub3A_213 = arith.subf %sub3A_212, %mul3A_210 : vector<16xf32>
        %mul3A_214 = arith.mulf %mul3A_208, %sub3A_213 : vector<16xf32>
        %mul3A_215 = arith.mulf %mul3A_202, %mul3A_214 : vector<16xf32>
        %mul3A_216 = arith.mulf %mul3A_215, %mul3A_214 : vector<16xf32>
        %sub3A_217 = arith.constant 1.500000e+00 : f32
        %sub3A_218 = vector.broadcast %sub3A_217 : f32 to vector<16xf32>
        %sub3A_219 = arith.subf %sub3A_218, %mul3A_216 : vector<16xf32>
        %mul3A_220 = arith.mulf %mul3A_214, %sub3A_219 : vector<16xf32>
        %mul3A_221 = arith.mulf %mul3A_202, %mul3A_220 : vector<16xf32>
        %mul3A_222 = arith.mulf %mul3A_221, %mul3A_220 : vector<16xf32>
        %sub3A_223 = arith.constant 1.500000e+00 : f32
        %sub3A_224 = vector.broadcast %sub3A_223 : f32 to vector<16xf32>
        %sub3A_225 = arith.subf %sub3A_224, %mul3A_222 : vector<16xf32>
        %mul3A_226 = arith.mulf %mul3A_220, %sub3A_225 : vector<16xf32>
        %mul3A_227 = arith.mulf %add3A_80, %mul3A_226 : vector<16xf32>
        %swap3A = arith.index_cast %sub3A_65 : i32 to index
        %swap3A_228 = arith.constant 0 : index
        %swap3A_229 = tpu.vector_load %arg9[%swap3A, %swap3A_228] {strides = array<i32>} : memref<256x128xf32, #tpu.memory_space<vmem>>, vector<16xf32>,
        tpu.vector_store %arg9[%swap3A, %swap3A_228], %mul3A_227 {strides = array<i32>} : memref<256x128xf32, #tpu.memory_space<vmem>>, vector<16xf32>,
        %mul3A_230 = arith.mulf %add3A_95, %mul3A_226 : vector<16xf32>
        %swap3A_231 = arith.index_cast %sub3A_65 : i32 to index
        %swap3A_232 = arith.constant 16 : index
        %swap3A_233 = tpu.vector_load %arg9[%swap3A_231, %swap3A_232] {strides = array<i32>} : memref<256x128xf32, #tpu.memory_space<vmem>>, vector<16xf32>,
        tpu.vector_store %arg9[%swap3A_231, %swap3A_232], %mul3A_230 {strides = array<i32>} : memref<256x128xf32, #tpu.memory_space<vmem>>, vector<16xf32>,
        %mul3A_234 = arith.mulf %add3A_110, %mul3A_226 : vector<16xf32>
        %swap3A_235 = arith.index_cast %sub3A_65 : i32 to index
        %swap3A_236 = arith.constant 32 : index
        %swap3A_237 = tpu.vector_load %arg9[%swap3A_235, %swap3A_236] {strides = array<i32>} : memref<256x128xf32, #tpu.memory_space<vmem>>, vector<16xf32>,
        tpu.vector_store %arg9[%swap3A_235, %swap3A_236], %mul3A_234 {strides = array<i32>} : memref<256x128xf32, #tpu.memory_space<vmem>>, vector<16xf32>,
        %mul3A_238 = arith.mulf %add3A_125, %mul3A_226 : vector<16xf32>
        %swap3A_239 = arith.index_cast %sub3A_65 : i32 to index
        %swap3A_240 = arith.constant 48 : index
        %swap3A_241 = tpu.vector_load %arg9[%swap3A_239, %swap3A_240] {strides = array<i32>} : memref<256x128xf32, #tpu.memory_space<vmem>>, vector<16xf32>,
        tpu.vector_store %arg9[%swap3A_239, %swap3A_240], %mul3A_238 {strides = array<i32>} : memref<256x128xf32, #tpu.memory_space<vmem>>, vector<16xf32>,
        %mul3A_242 = arith.mulf %add3A_140, %mul3A_226 : vector<16xf32>
        %swap3A_243 = arith.index_cast %sub3A_65 : i32 to index
        %swap3A_244 = arith.constant 64 : index
        %swap3A_245 = tpu.vector_load %arg9[%swap3A_243, %swap3A_244] {strides = array<i32>} : memref<256x128xf32, #tpu.memory_space<vmem>>, vector<16xf32>,
        tpu.vector_store %arg9[%swap3A_243, %swap3A_244], %mul3A_242 {strides = array<i32>} : memref<256x128xf32, #tpu.memory_space<vmem>>, vector<16xf32>,
        %mul3A_246 = arith.mulf %add3A_155, %mul3A_226 : vector<16xf32>
        %swap3A_247 = arith.index_cast %sub3A_65 : i32 to index
        %swap3A_248 = arith.constant 80 : index
        %swap3A_249 = tpu.vector_load %arg9[%swap3A_247, %swap3A_248] {strides = array<i32>} : memref<256x128xf32, #tpu.memory_space<vmem>>, vector<16xf32>,
        tpu.vector_store %arg9[%swap3A_247, %swap3A_248], %mul3A_246 {strides = array<i32>} : memref<256x128xf32, #tpu.memory_space<vmem>>, vector<16xf32>,
        %mul3A_250 = arith.mulf %add3A_170, %mul3A_226 : vector<16xf32>
        %swap3A_251 = arith.index_cast %sub3A_65 : i32 to index
        %swap3A_252 = arith.constant 96 : index
        %swap3A_253 = tpu.vector_load %arg9[%swap3A_251, %swap3A_252] {strides = array<i32>} : memref<256x128xf32, #tpu.memory_space<vmem>>, vector<16xf32>,
        tpu.vector_store %arg9[%swap3A_251, %swap3A_252], %mul3A_250 {strides = array<i32>} : memref<256x128xf32, #tpu.memory_space<vmem>>, vector<16xf32>,
        %mul3A_254 = arith.mulf %add3A_185, %mul3A_226 : vector<16xf32>
        %swap3A_255 = arith.index_cast %sub3A_65 : i32 to index
        %swap3A_256 = arith.constant 112 : index
        %swap3A_257 = tpu.vector_load %arg9[%swap3A_255, %swap3A_256] {strides = array<i32>} : memref<256x128xf32, #tpu.memory_space<vmem>>, vector<16xf32>,
        tpu.vector_store %arg9[%swap3A_255, %swap3A_256], %mul3A_254 {strides = array<i32>} : memref<256x128xf32, #tpu.memory_space<vmem>>, vector<16xf32>,
      }
      %while3A_61 = arith.constant 1 : i32
      scf.for %while3A_62 = %while3A_59 to %while3A_55 step %while3A_61  : i32 {
        %sub3A_63 = arith.subi %while3A_62, %mul3A_45 : i32
        %get3A = arith.index_cast %while3A_62 : i32 to index
        %get3A_64 = tpu.vector_load %arg8[%get3A] {strides = array<i32>} : memref<4112xi32, #tpu.memory_space<vmem>>, vector<16xi32>,
        %slice3A = vector.extract_strided_slice %get3A_64 {offsets = [0], sizes = [1], strides = [1]} : vector<16xi32> to vector<1xi32>
        %squeeze3A = vector.extract %slice3A[0] : i32 from vector<1xi32>
        %sub3A_65 = arith.subi %squeeze3A, %mul3A_2 : i32
        %broadcast_in_dim3A_66 = arith.constant 0.000000e+00 : f32
        %broadcast_in_dim3A_67 = vector.broadcast %broadcast_in_dim3A_66 : f32 to vector<16xf32>
        %get3A_68 = arith.index_cast %sub3A_65 : i32 to index
        %get3A_69 = arith.constant 0 : index
        %get3A_70 = tpu.vector_load %arg9[%get3A_68, %get3A_69] {strides = array<i32>} : memref<256x128xf32, #tpu.memory_space<vmem>>, vector<16xf32>,
        %get3A_71 = arith.index_cast %sub3A_63 : i32 to index
        %get3A_72 = arith.constant 0 : index
        %get3A_73 = tpu.vector_load %arg10[%get3A_71, %get3A_72] {strides = array<i32>} : memref<128x128xf32, #tpu.memory_space<vmem>>, vector<16xf32>,
        %mul3A_74 = arith.constant 5.000000e-01 : f32
        %mul3A_75 = vector.broadcast %mul3A_74 : f32 to vector<16xf32>
        %mul3A_76 = arith.mulf %mul3A_75, %get3A_70 : vector<16xf32>
        %mul3A_77 = arith.constant 5.000000e-01 : f32
        %mul3A_78 = vector.broadcast %mul3A_77 : f32 to vector<16xf32>
        %mul3A_79 = arith.mulf %mul3A_78, %get3A_73 : vector<16xf32>
        %add3A_80 = arith.addf %mul3A_76, %mul3A_79 : vector<16xf32>
        %mul3A_81 = arith.mulf %add3A_80, %add3A_80 : vector<16xf32>
        %add3A_82 = arith.addf %broadcast_in_dim3A_67, %mul3A_81 : vector<16xf32>
        %get3A_83 = arith.index_cast %sub3A_65 : i32 to index
        %get3A_84 = arith.constant 16 : index
        %get3A_85 = tpu.vector_load %arg9[%get3A_83, %get3A_84] {strides = array<i32>} : memref<256x128xf32, #tpu.memory_space<vmem>>, vector<16xf32>,
        %get3A_86 = arith.index_cast %sub3A_63 : i32 to index
        %get3A_87 = arith.constant 16 : index
        %get3A_88 = tpu.vector_load %arg10[%get3A_86, %get3A_87] {strides = array<i32>} : memref<128x128xf32, #tpu.memory_space<vmem>>, vector<16xf32>,
        %mul3A_89 = arith.constant 5.000000e-01 : f32
        %mul3A_90 = vector.broadcast %mul3A_89 : f32 to vector<16xf32>
        %mul3A_91 = arith.mulf %mul3A_90, %get3A_85 : vector<16xf32>
        %mul3A_92 = arith.constant 5.000000e-01 : f32
        %mul3A_93 = vector.broadcast %mul3A_92 : f32 to vector<16xf32>
        %mul3A_94 = arith.mulf %mul3A_93, %get3A_88 : vector<16xf32>
        %add3A_95 = arith.addf %mul3A_91, %mul3A_94 : vector<16xf32>
        %mul3A_96 = arith.mulf %add3A_95, %add3A_95 : vector<16xf32>
        %add3A_97 = arith.addf %add3A_82, %mul3A_96 : vector<16xf32>
        %get3A_98 = arith.index_cast %sub3A_65 : i32 to index
        %get3A_99 = arith.constant 32 : index
        %get3A_100 = tpu.vector_load %arg9[%get3A_98, %get3A_99] {strides = array<i32>} : memref<256x128xf32, #tpu.memory_space<vmem>>, vector<16xf32>,
        %get3A_101 = arith.index_cast %sub3A_63 : i32 to index
        %get3A_102 = arith.constant 32 : index
        %get3A_103 = tpu.vector_load %arg10[%get3A_101, %get3A_102] {strides = array<i32>} : memref<128x128xf32, #tpu.memory_space<vmem>>, vector<16xf32>,
        %mul3A_104 = arith.constant 5.000000e-01 : f32
        %mul3A_105 = vector.broadcast %mul3A_104 : f32 to vector<16xf32>
        %mul3A_106 = arith.mulf %mul3A_105, %get3A_100 : vector<16xf32>
        %mul3A_107 = arith.constant 5.000000e-01 : f32
        %mul3A_108 = vector.broadcast %mul3A_107 : f32 to vector<16xf32>
        %mul3A_109 = arith.mulf %mul3A_108, %get3A_103 : vector<16xf32>
        %add3A_110 = arith.addf %mul3A_106, %mul3A_109 : vector<16xf32>
        %mul3A_111 = arith.mulf %add3A_110, %add3A_110 : vector<16xf32>
        %add3A_112 = arith.addf %add3A_97, %mul3A_111 : vector<16xf32>
        %get3A_113 = arith.index_cast %sub3A_65 : i32 to index
        %get3A_114 = arith.constant 48 : index
        %get3A_115 = tpu.vector_load %arg9[%get3A_113, %get3A_114] {strides = array<i32>} : memref<256x128xf32, #tpu.memory_space<vmem>>, vector<16xf32>,
        %get3A_116 = arith.index_cast %sub3A_63 : i32 to index
        %get3A_117 = arith.constant 48 : index
        %get3A_118 = tpu.vector_load %arg10[%get3A_116, %get3A_117] {strides = array<i32>} : memref<128x128xf32, #tpu.memory_space<vmem>>, vector<16xf32>,
        %mul3A_119 = arith.constant 5.000000e-01 : f32
        %mul3A_120 = vector.broadcast %mul3A_119 : f32 to vector<16xf32>
        %mul3A_121 = arith.mulf %mul3A_120, %get3A_115 : vector<16xf32>
        %mul3A_122 = arith.constant 5.000000e-01 : f32
        %mul3A_123 = vector.broadcast %mul3A_122 : f32 to vector<16xf32>
        %mul3A_124 = arith.mulf %mul3A_123, %get3A_118 : vector<16xf32>
        %add3A_125 = arith.addf %mul3A_121, %mul3A_124 : vector<16xf32>
        %mul3A_126 = arith.mulf %add3A_125, %add3A_125 : vector<16xf32>
        %add3A_127 = arith.addf %add3A_112, %mul3A_126 : vector<16xf32>
        %get3A_128 = arith.index_cast %sub3A_65 : i32 to index
        %get3A_129 = arith.constant 64 : index
        %get3A_130 = tpu.vector_load %arg9[%get3A_128, %get3A_129] {strides = array<i32>} : memref<256x128xf32, #tpu.memory_space<vmem>>, vector<16xf32>,
        %get3A_131 = arith.index_cast %sub3A_63 : i32 to index
        %get3A_132 = arith.constant 64 : index
        %get3A_133 = tpu.vector_load %arg10[%get3A_131, %get3A_132] {strides = array<i32>} : memref<128x128xf32, #tpu.memory_space<vmem>>, vector<16xf32>,
        %mul3A_134 = arith.constant 5.000000e-01 : f32
        %mul3A_135 = vector.broadcast %mul3A_134 : f32 to vector<16xf32>
        %mul3A_136 = arith.mulf %mul3A_135, %get3A_130 : vector<16xf32>
        %mul3A_137 = arith.constant 5.000000e-01 : f32
        %mul3A_138 = vector.broadcast %mul3A_137 : f32 to vector<16xf32>
        %mul3A_139 = arith.mulf %mul3A_138, %get3A_133 : vector<16xf32>
        %add3A_140 = arith.addf %mul3A_136, %mul3A_139 : vector<16xf32>
        %mul3A_141 = arith.mulf %add3A_140, %add3A_140 : vector<16xf32>
        %add3A_142 = arith.addf %add3A_127, %mul3A_141 : vector<16xf32>
        %get3A_143 = arith.index_cast %sub3A_65 : i32 to index
        %get3A_144 = arith.constant 80 : index
        %get3A_145 = tpu.vector_load %arg9[%get3A_143, %get3A_144] {strides = array<i32>} : memref<256x128xf32, #tpu.memory_space<vmem>>, vector<16xf32>,
        %get3A_146 = arith.index_cast %sub3A_63 : i32 to index
        %get3A_147 = arith.constant 80 : index
        %get3A_148 = tpu.vector_load %arg10[%get3A_146, %get3A_147] {strides = array<i32>} : memref<128x128xf32, #tpu.memory_space<vmem>>, vector<16xf32>,
        %mul3A_149 = arith.constant 5.000000e-01 : f32
        %mul3A_150 = vector.broadcast %mul3A_149 : f32 to vector<16xf32>
        %mul3A_151 = arith.mulf %mul3A_150, %get3A_145 : vector<16xf32>
        %mul3A_152 = arith.constant 5.000000e-01 : f32
        %mul3A_153 = vector.broadcast %mul3A_152 : f32 to vector<16xf32>
        %mul3A_154 = arith.mulf %mul3A_153, %get3A_148 : vector<16xf32>
        %add3A_155 = arith.addf %mul3A_151, %mul3A_154 : vector<16xf32>
        %mul3A_156 = arith.mulf %add3A_155, %add3A_155 : vector<16xf32>
        %add3A_157 = arith.addf %add3A_142, %mul3A_156 : vector<16xf32>
        %get3A_158 = arith.index_cast %sub3A_65 : i32 to index
        %get3A_159 = arith.constant 96 : index
        %get3A_160 = tpu.vector_load %arg9[%get3A_158, %get3A_159] {strides = array<i32>} : memref<256x128xf32, #tpu.memory_space<vmem>>, vector<16xf32>,
        %get3A_161 = arith.index_cast %sub3A_63 : i32 to index
        %get3A_162 = arith.constant 96 : index
        %get3A_163 = tpu.vector_load %arg10[%get3A_161, %get3A_162] {strides = array<i32>} : memref<128x128xf32, #tpu.memory_space<vmem>>, vector<16xf32>,
        %mul3A_164 = arith.constant 5.000000e-01 : f32
        %mul3A_165 = vector.broadcast %mul3A_164 : f32 to vector<16xf32>
        %mul3A_166 = arith.mulf %mul3A_165, %get3A_160 : vector<16xf32>
        %mul3A_167 = arith.constant 5.000000e-01 : f32
        %mul3A_168 = vector.broadcast %mul3A_167 : f32 to vector<16xf32>
        %mul3A_169 = arith.mulf %mul3A_168, %get3A_163 : vector<16xf32>
        %add3A_170 = arith.addf %mul3A_166, %mul3A_169 : vector<16xf32>
        %mul3A_171 = arith.mulf %add3A_170, %add3A_170 : vector<16xf32>
        %add3A_172 = arith.addf %add3A_157, %mul3A_171 : vector<16xf32>
        %get3A_173 = arith.index_cast %sub3A_65 : i32 to index
        %get3A_174 = arith.constant 112 : index
        %get3A_175 = tpu.vector_load %arg9[%get3A_173, %get3A_174] {strides = array<i32>} : memref<256x128xf32, #tpu.memory_space<vmem>>, vector<16xf32>,
        %get3A_176 = arith.index_cast %sub3A_63 : i32 to index
        %get3A_177 = arith.constant 112 : index
        %get3A_178 = tpu.vector_load %arg10[%get3A_176, %get3A_177] {strides = array<i32>} : memref<128x128xf32, #tpu.memory_space<vmem>>, vector<16xf32>,
        %mul3A_179 = arith.constant 5.000000e-01 : f32
        %mul3A_180 = vector.broadcast %mul3A_179 : f32 to vector<16xf32>
        %mul3A_181 = arith.mulf %mul3A_180, %get3A_175 : vector<16xf32>
        %mul3A_182 = arith.constant 5.000000e-01 : f32
        %mul3A_183 = vector.broadcast %mul3A_182 : f32 to vector<16xf32>
        %mul3A_184 = arith.mulf %mul3A_183, %get3A_178 : vector<16xf32>
        %add3A_185 = arith.addf %mul3A_181, %mul3A_184 : vector<16xf32>
        %mul3A_186 = arith.mulf %add3A_185, %add3A_185 : vector<16xf32>
        %add3A_187 = arith.addf %add3A_172, %mul3A_186 : vector<16xf32>
        %reduce_sum3A = arith.constant true
        %reduce_sum3A_188 = vector.broadcast %reduce_sum3A : i1 to vector<16xi1>
        %reduce_sum3A_189 = tpu.scan <sum>, %add3A_187 masked %reduce_sum3A_188 : vector<16xf32>, vector<16xi1> -> vector<16xf32>
        %reduce_sum3A_190 = vector.extract %reduce_sum3A_189[15] : f32 from vector<16xf32>
        %broadcast_in_dim3A_191 = vector.broadcast %reduce_sum3A_190 : f32 to vector<16xf32>
        %max3A = arith.constant 1.000000e-24 : f32
        %max3A_192 = vector.broadcast %max3A : f32 to vector<16xf32>
        %max3A_193 = arith.maximumf %broadcast_in_dim3A_191, %max3A_192 : vector<16xf32>
        %bitcast3A = vector.bitcast %max3A_193 : vector<16xf32> to vector<16xi32>
        %shift_right_arithmetic3A = arith.constant 1 : i32
        %shift_right_arithmetic3A_194 = vector.broadcast %shift_right_arithmetic3A : i32 to vector<16xi32>
        %shift_right_arithmetic3A_195 = arith.shrsi %bitcast3A, %shift_right_arithmetic3A_194 : vector<16xi32>
        %sub3A_196 = arith.constant 1597463007 : i32
        %sub3A_197 = vector.broadcast %sub3A_196 : i32 to vector<16xi32>
        %sub3A_198 = arith.subi %sub3A_197, %shift_right_arithmetic3A_195 : vector<16xi32>
        %bitcast3A_199 = vector.bitcast %sub3A_198 : vector<16xi32> to vector<16xf32>
        %mul3A_200 = arith.constant 5.000000e-01 : f32
        %mul3A_201 = vector.broadcast %mul3A_200 : f32 to vector<16xf32>
        %mul3A_202 = arith.mulf %mul3A_201, %max3A_193 : vector<16xf32>
        %mul3A_203 = arith.mulf %mul3A_202, %bitcast3A_199 : vector<16xf32>
        %mul3A_204 = arith.mulf %mul3A_203, %bitcast3A_199 : vector<16xf32>
        %sub3A_205 = arith.constant 1.500000e+00 : f32
        %sub3A_206 = vector.broadcast %sub3A_205 : f32 to vector<16xf32>
        %sub3A_207 = arith.subf %sub3A_206, %mul3A_204 : vector<16xf32>
        %mul3A_208 = arith.mulf %bitcast3A_199, %sub3A_207 : vector<16xf32>
        %mul3A_209 = arith.mulf %mul3A_202, %mul3A_208 : vector<16xf32>
        %mul3A_210 = arith.mulf %mul3A_209, %mul3A_208 : vector<16xf32>
        %sub3A_211 = arith.constant 1.500000e+00 : f32
        %sub3A_212 = vector.broadcast %sub3A_211 : f32 to vector<16xf32>
        %sub3A_213 = arith.subf %sub3A_212, %mul3A_210 : vector<16xf32>
        %mul3A_214 = arith.mulf %mul3A_208, %sub3A_213 : vector<16xf32>
        %mul3A_215 = arith.mulf %mul3A_202, %mul3A_214 : vector<16xf32>
        %mul3A_216 = arith.mulf %mul3A_215, %mul3A_214 : vector<16xf32>
        %sub3A_217 = arith.constant 1.500000e+00 : f32
        %sub3A_218 = vector.broadcast %sub3A_217 : f32 to vector<16xf32>
        %sub3A_219 = arith.subf %sub3A_218, %mul3A_216 : vector<16xf32>
        %mul3A_220 = arith.mulf %mul3A_214, %sub3A_219 : vector<16xf32>
        %mul3A_221 = arith.mulf %mul3A_202, %mul3A_220 : vector<16xf32>
        %mul3A_222 = arith.mulf %mul3A_221, %mul3A_220 : vector<16xf32>
        %sub3A_223 = arith.constant 1.500000e+00 : f32
        %sub3A_224 = vector.broadcast %sub3A_223 : f32 to vector<16xf32>
        %sub3A_225 = arith.subf %sub3A_224, %mul3A_222 : vector<16xf32>
        %mul3A_226 = arith.mulf %mul3A_220, %sub3A_225 : vector<16xf32>
        %mul3A_227 = arith.mulf %add3A_80, %mul3A_226 : vector<16xf32>
        %swap3A = arith.index_cast %sub3A_65 : i32 to index
        %swap3A_228 = arith.constant 0 : index
        %swap3A_229 = tpu.vector_load %arg9[%swap3A, %swap3A_228] {strides = array<i32>} : memref<256x128xf32, #tpu.memory_space<vmem>>, vector<16xf32>,
        tpu.vector_store %arg9[%swap3A, %swap3A_228], %mul3A_227 {strides = array<i32>} : memref<256x128xf32, #tpu.memory_space<vmem>>, vector<16xf32>,
        %mul3A_230 = arith.mulf %add3A_95, %mul3A_226 : vector<16xf32>
        %swap3A_231 = arith.index_cast %sub3A_65 : i32 to index
        %swap3A_232 = arith.constant 16 : index
        %swap3A_233 = tpu.vector_load %arg9[%swap3A_231, %swap3A_232] {strides = array<i32>} : memref<256x128xf32, #tpu.memory_space<vmem>>, vector<16xf32>,
        tpu.vector_store %arg9[%swap3A_231, %swap3A_232], %mul3A_230 {strides = array<i32>} : memref<256x128xf32, #tpu.memory_space<vmem>>, vector<16xf32>,
        %mul3A_234 = arith.mulf %add3A_110, %mul3A_226 : vector<16xf32>
        %swap3A_235 = arith.index_cast %sub3A_65 : i32 to index
        %swap3A_236 = arith.constant 32 : index
        %swap3A_237 = tpu.vector_load %arg9[%swap3A_235, %swap3A_236] {strides = array<i32>} : memref<256x128xf32, #tpu.memory_space<vmem>>, vector<16xf32>,
        tpu.vector_store %arg9[%swap3A_235, %swap3A_236], %mul3A_234 {strides = array<i32>} : memref<256x128xf32, #tpu.memory_space<vmem>>, vector<16xf32>,
        %mul3A_238 = arith.mulf %add3A_125, %mul3A_226 : vector<16xf32>
        %swap3A_239 = arith.index_cast %sub3A_65 : i32 to index
        %swap3A_240 = arith.constant 48 : index
        %swap3A_241 = tpu.vector_load %arg9[%swap3A_239, %swap3A_240] {strides = array<i32>} : memref<256x128xf32, #tpu.memory_space<vmem>>, vector<16xf32>,
        tpu.vector_store %arg9[%swap3A_239, %swap3A_240], %mul3A_238 {strides = array<i32>} : memref<256x128xf32, #tpu.memory_space<vmem>>, vector<16xf32>,
        %mul3A_242 = arith.mulf %add3A_140, %mul3A_226 : vector<16xf32>
        %swap3A_243 = arith.index_cast %sub3A_65 : i32 to index
        %swap3A_244 = arith.constant 64 : index
        %swap3A_245 = tpu.vector_load %arg9[%swap3A_243, %swap3A_244] {strides = array<i32>} : memref<256x128xf32, #tpu.memory_space<vmem>>, vector<16xf32>,
        tpu.vector_store %arg9[%swap3A_243, %swap3A_244], %mul3A_242 {strides = array<i32>} : memref<256x128xf32, #tpu.memory_space<vmem>>, vector<16xf32>,
        %mul3A_246 = arith.mulf %add3A_155, %mul3A_226 : vector<16xf32>
        %swap3A_247 = arith.index_cast %sub3A_65 : i32 to index
        %swap3A_248 = arith.constant 80 : index
        %swap3A_249 = tpu.vector_load %arg9[%swap3A_247, %swap3A_248] {strides = array<i32>} : memref<256x128xf32, #tpu.memory_space<vmem>>, vector<16xf32>,
        tpu.vector_store %arg9[%swap3A_247, %swap3A_248], %mul3A_246 {strides = array<i32>} : memref<256x128xf32, #tpu.memory_space<vmem>>, vector<16xf32>,
        %mul3A_250 = arith.mulf %add3A_170, %mul3A_226 : vector<16xf32>
        %swap3A_251 = arith.index_cast %sub3A_65 : i32 to index
        %swap3A_252 = arith.constant 96 : index
        %swap3A_253 = tpu.vector_load %arg9[%swap3A_251, %swap3A_252] {strides = array<i32>} : memref<256x128xf32, #tpu.memory_space<vmem>>, vector<16xf32>,
        tpu.vector_store %arg9[%swap3A_251, %swap3A_252], %mul3A_250 {strides = array<i32>} : memref<256x128xf32, #tpu.memory_space<vmem>>, vector<16xf32>,
        %mul3A_254 = arith.mulf %add3A_185, %mul3A_226 : vector<16xf32>
        %swap3A_255 = arith.index_cast %sub3A_65 : i32 to index
        %swap3A_256 = arith.constant 112 : index
        %swap3A_257 = tpu.vector_load %arg9[%swap3A_255, %swap3A_256] {strides = array<i32>} : memref<256x128xf32, #tpu.memory_space<vmem>>, vector<16xf32>,
        tpu.vector_store %arg9[%swap3A_255, %swap3A_256], %mul3A_254 {strides = array<i32>} : memref<256x128xf32, #tpu.memory_space<vmem>>, vector<16xf32>,
      }
    }
    %while3A_42 = arith.constant 1 : i32
    scf.for %while3A_43 = %while3A_40 to %while3A_36 step %while3A_42  : i32 {
      %mul3A_44 = arith.constant 128 : i32
      %mul3A_45 = arith.muli %while3A_43, %mul3A_44 : i32
      %dma_start3A = tpu.memref_slice %arg7[%mul3A_45] : memref<4112xi32, #tpu.memory_space<vmem>> -> memref<128xi32, #tpu.memory_space<vmem>>
      %dma_start3A_46 = arith.constant 0 : i32
      %dma_start3A_47 = arith.constant 0 : i32
      %dma_start3A_48 = tpu.memref_slice %arg2[%dma_start3A_46, %dma_start3A_47] : memref<4096x128xf32, #tpu.memory_space<hbm>> -> memref<4096x128xf32, #tpu.memory_space<hbm>>
      tpu.enqueue_indirect_dma source(%dma_start3A_48 : memref<4096x128xf32, #tpu.memory_space<hbm>>) target(%arg10 : memref<128x128xf32, #tpu.memory_space<vmem>>) offsets(%dma_start3A : memref<128xi32, #tpu.memory_space<vmem>>) semaphore(%arg11 : memref<!tpu.dma_semaphore, #tpu.memory_space<semaphore_mem>>)
      %dma_wait3A = tpu.memref_slice %arg7[%mul3A_45] : memref<4112xi32, #tpu.memory_space<vmem>> -> memref<128xi32, #tpu.memory_space<vmem>>
      %dma_wait3A_49 = arith.constant 0 : i32
      %dma_wait3A_50 = arith.constant 0 : i32
      %dma_wait3A_51 = tpu.memref_slice %arg2[%dma_wait3A_49, %dma_wait3A_50] : memref<4096x128xf32, #tpu.memory_space<hbm>> -> memref<4096x128xf32, #tpu.memory_space<hbm>>
      tpu.wait_indirect_dma semaphore(%arg11 : memref<!tpu.dma_semaphore, #tpu.memory_space<semaphore_mem>>) src(%dma_wait3A_51 : memref<4096x128xf32, #tpu.memory_space<hbm>>) dst(%arg10 : memref<128x128xf32, #tpu.memory_space<vmem>>)
      %add3A_52 = arith.constant 128 : i32
      %add3A_53 = arith.addi %mul3A_45, %add3A_52 : i32
      %min3A = arith.minsi %scan3A_13, %add3A_53 : i32
      %while3A_54 = arith.subi %min3A, %mul3A_45 : i32
      %while3A_55 = arith.addi %mul3A_45, %while3A_54 : i32
      %while3A_56 = arith.constant 1 : i32
      %while3A_57 = arith.divsi %while3A_54, %while3A_56 : i32
      %while3A_58 = arith.muli %while3A_57, %while3A_56 : i32
      %while3A_59 = arith.addi %mul3A_45, %while3A_58 : i32
      %while3A_60 = arith.constant 1 : i32
      scf.for %while3A_62 = %mul3A_45 to %while3A_59 step %while3A_60  : i32 {
        %sub3A_63 = arith.subi %while3A_62, %mul3A_45 : i32
        %get3A = arith.index_cast %while3A_62 : i32 to index
        %get3A_64 = tpu.vector_load %arg8[%get3A] {strides = array<i32>} : memref<4112xi32, #tpu.memory_space<vmem>>, vector<16xi32>,
        %slice3A = vector.extract_strided_slice %get3A_64 {offsets = [0], sizes = [1], strides = [1]} : vector<16xi32> to vector<1xi32>
        %squeeze3A = vector.extract %slice3A[0] : i32 from vector<1xi32>
        %sub3A_65 = arith.subi %squeeze3A, %mul3A_2 : i32
        %broadcast_in_dim3A_66 = arith.constant 0.000000e+00 : f32
        %broadcast_in_dim3A_67 = vector.broadcast %broadcast_in_dim3A_66 : f32 to vector<16xf32>
        %get3A_68 = arith.index_cast %sub3A_65 : i32 to index
        %get3A_69 = arith.constant 0 : index
        %get3A_70 = tpu.vector_load %arg9[%get3A_68, %get3A_69] {strides = array<i32>} : memref<256x128xf32, #tpu.memory_space<vmem>>, vector<16xf32>,
        %get3A_71 = arith.index_cast %sub3A_63 : i32 to index
        %get3A_72 = arith.constant 0 : index
        %get3A_73 = tpu.vector_load %arg10[%get3A_71, %get3A_72] {strides = array<i32>} : memref<128x128xf32, #tpu.memory_space<vmem>>, vector<16xf32>,
        %mul3A_74 = arith.constant 5.000000e-01 : f32
        %mul3A_75 = vector.broadcast %mul3A_74 : f32 to vector<16xf32>
        %mul3A_76 = arith.mulf %mul3A_75, %get3A_70 : vector<16xf32>
        %mul3A_77 = arith.constant 5.000000e-01 : f32
        %mul3A_78 = vector.broadcast %mul3A_77 : f32 to vector<16xf32>
        %mul3A_79 = arith.mulf %mul3A_78, %get3A_73 : vector<16xf32>
        %add3A_80 = arith.addf %mul3A_76, %mul3A_79 : vector<16xf32>
        %mul3A_81 = arith.mulf %add3A_80, %add3A_80 : vector<16xf32>
        %add3A_82 = arith.addf %broadcast_in_dim3A_67, %mul3A_81 : vector<16xf32>
        %get3A_83 = arith.index_cast %sub3A_65 : i32 to index
        %get3A_84 = arith.constant 16 : index
        %get3A_85 = tpu.vector_load %arg9[%get3A_83, %get3A_84] {strides = array<i32>} : memref<256x128xf32, #tpu.memory_space<vmem>>, vector<16xf32>,
        %get3A_86 = arith.index_cast %sub3A_63 : i32 to index
        %get3A_87 = arith.constant 16 : index
        %get3A_88 = tpu.vector_load %arg10[%get3A_86, %get3A_87] {strides = array<i32>} : memref<128x128xf32, #tpu.memory_space<vmem>>, vector<16xf32>,
        %mul3A_89 = arith.constant 5.000000e-01 : f32
        %mul3A_90 = vector.broadcast %mul3A_89 : f32 to vector<16xf32>
        %mul3A_91 = arith.mulf %mul3A_90, %get3A_85 : vector<16xf32>
        %mul3A_92 = arith.constant 5.000000e-01 : f32
        %mul3A_93 = vector.broadcast %mul3A_92 : f32 to vector<16xf32>
        %mul3A_94 = arith.mulf %mul3A_93, %get3A_88 : vector<16xf32>
        %add3A_95 = arith.addf %mul3A_91, %mul3A_94 : vector<16xf32>
        %mul3A_96 = arith.mulf %add3A_95, %add3A_95 : vector<16xf32>
        %add3A_97 = arith.addf %add3A_82, %mul3A_96 : vector<16xf32>
        %get3A_98 = arith.index_cast %sub3A_65 : i32 to index
        %get3A_99 = arith.constant 32 : index
        %get3A_100 = tpu.vector_load %arg9[%get3A_98, %get3A_99] {strides = array<i32>} : memref<256x128xf32, #tpu.memory_space<vmem>>, vector<16xf32>,
        %get3A_101 = arith.index_cast %sub3A_63 : i32 to index
        %get3A_102 = arith.constant 32 : index
        %get3A_103 = tpu.vector_load %arg10[%get3A_101, %get3A_102] {strides = array<i32>} : memref<128x128xf32, #tpu.memory_space<vmem>>, vector<16xf32>,
        %mul3A_104 = arith.constant 5.000000e-01 : f32
        %mul3A_105 = vector.broadcast %mul3A_104 : f32 to vector<16xf32>
        %mul3A_106 = arith.mulf %mul3A_105, %get3A_100 : vector<16xf32>
        %mul3A_107 = arith.constant 5.000000e-01 : f32
        %mul3A_108 = vector.broadcast %mul3A_107 : f32 to vector<16xf32>
        %mul3A_109 = arith.mulf %mul3A_108, %get3A_103 : vector<16xf32>
        %add3A_110 = arith.addf %mul3A_106, %mul3A_109 : vector<16xf32>
        %mul3A_111 = arith.mulf %add3A_110, %add3A_110 : vector<16xf32>
        %add3A_112 = arith.addf %add3A_97, %mul3A_111 : vector<16xf32>
        %get3A_113 = arith.index_cast %sub3A_65 : i32 to index
        %get3A_114 = arith.constant 48 : index
        %get3A_115 = tpu.vector_load %arg9[%get3A_113, %get3A_114] {strides = array<i32>} : memref<256x128xf32, #tpu.memory_space<vmem>>, vector<16xf32>,
        %get3A_116 = arith.index_cast %sub3A_63 : i32 to index
        %get3A_117 = arith.constant 48 : index
        %get3A_118 = tpu.vector_load %arg10[%get3A_116, %get3A_117] {strides = array<i32>} : memref<128x128xf32, #tpu.memory_space<vmem>>, vector<16xf32>,
        %mul3A_119 = arith.constant 5.000000e-01 : f32
        %mul3A_120 = vector.broadcast %mul3A_119 : f32 to vector<16xf32>
        %mul3A_121 = arith.mulf %mul3A_120, %get3A_115 : vector<16xf32>
        %mul3A_122 = arith.constant 5.000000e-01 : f32
        %mul3A_123 = vector.broadcast %mul3A_122 : f32 to vector<16xf32>
        %mul3A_124 = arith.mulf %mul3A_123, %get3A_118 : vector<16xf32>
        %add3A_125 = arith.addf %mul3A_121, %mul3A_124 : vector<16xf32>
        %mul3A_126 = arith.mulf %add3A_125, %add3A_125 : vector<16xf32>
        %add3A_127 = arith.addf %add3A_112, %mul3A_126 : vector<16xf32>
        %get3A_128 = arith.index_cast %sub3A_65 : i32 to index
        %get3A_129 = arith.constant 64 : index
        %get3A_130 = tpu.vector_load %arg9[%get3A_128, %get3A_129] {strides = array<i32>} : memref<256x128xf32, #tpu.memory_space<vmem>>, vector<16xf32>,
        %get3A_131 = arith.index_cast %sub3A_63 : i32 to index
        %get3A_132 = arith.constant 64 : index
        %get3A_133 = tpu.vector_load %arg10[%get3A_131, %get3A_132] {strides = array<i32>} : memref<128x128xf32, #tpu.memory_space<vmem>>, vector<16xf32>,
        %mul3A_134 = arith.constant 5.000000e-01 : f32
        %mul3A_135 = vector.broadcast %mul3A_134 : f32 to vector<16xf32>
        %mul3A_136 = arith.mulf %mul3A_135, %get3A_130 : vector<16xf32>
        %mul3A_137 = arith.constant 5.000000e-01 : f32
        %mul3A_138 = vector.broadcast %mul3A_137 : f32 to vector<16xf32>
        %mul3A_139 = arith.mulf %mul3A_138, %get3A_133 : vector<16xf32>
        %add3A_140 = arith.addf %mul3A_136, %mul3A_139 : vector<16xf32>
        %mul3A_141 = arith.mulf %add3A_140, %add3A_140 : vector<16xf32>
        %add3A_142 = arith.addf %add3A_127, %mul3A_141 : vector<16xf32>
        %get3A_143 = arith.index_cast %sub3A_65 : i32 to index
        %get3A_144 = arith.constant 80 : index
        %get3A_145 = tpu.vector_load %arg9[%get3A_143, %get3A_144] {strides = array<i32>} : memref<256x128xf32, #tpu.memory_space<vmem>>, vector<16xf32>,
        %get3A_146 = arith.index_cast %sub3A_63 : i32 to index
        %get3A_147 = arith.constant 80 : index
        %get3A_148 = tpu.vector_load %arg10[%get3A_146, %get3A_147] {strides = array<i32>} : memref<128x128xf32, #tpu.memory_space<vmem>>, vector<16xf32>,
        %mul3A_149 = arith.constant 5.000000e-01 : f32
        %mul3A_150 = vector.broadcast %mul3A_149 : f32 to vector<16xf32>
        %mul3A_151 = arith.mulf %mul3A_150, %get3A_145 : vector<16xf32>
        %mul3A_152 = arith.constant 5.000000e-01 : f32
        %mul3A_153 = vector.broadcast %mul3A_152 : f32 to vector<16xf32>
        %mul3A_154 = arith.mulf %mul3A_153, %get3A_148 : vector<16xf32>
        %add3A_155 = arith.addf %mul3A_151, %mul3A_154 : vector<16xf32>
        %mul3A_156 = arith.mulf %add3A_155, %add3A_155 : vector<16xf32>
        %add3A_157 = arith.addf %add3A_142, %mul3A_156 : vector<16xf32>
        %get3A_158 = arith.index_cast %sub3A_65 : i32 to index
        %get3A_159 = arith.constant 96 : index
        %get3A_160 = tpu.vector_load %arg9[%get3A_158, %get3A_159] {strides = array<i32>} : memref<256x128xf32, #tpu.memory_space<vmem>>, vector<16xf32>,
        %get3A_161 = arith.index_cast %sub3A_63 : i32 to index
        %get3A_162 = arith.constant 96 : index
        %get3A_163 = tpu.vector_load %arg10[%get3A_161, %get3A_162] {strides = array<i32>} : memref<128x128xf32, #tpu.memory_space<vmem>>, vector<16xf32>,
        %mul3A_164 = arith.constant 5.000000e-01 : f32
        %mul3A_165 = vector.broadcast %mul3A_164 : f32 to vector<16xf32>
        %mul3A_166 = arith.mulf %mul3A_165, %get3A_160 : vector<16xf32>
        %mul3A_167 = arith.constant 5.000000e-01 : f32
        %mul3A_168 = vector.broadcast %mul3A_167 : f32 to vector<16xf32>
        %mul3A_169 = arith.mulf %mul3A_168, %get3A_163 : vector<16xf32>
        %add3A_170 = arith.addf %mul3A_166, %mul3A_169 : vector<16xf32>
        %mul3A_171 = arith.mulf %add3A_170, %add3A_170 : vector<16xf32>
        %add3A_172 = arith.addf %add3A_157, %mul3A_171 : vector<16xf32>
        %get3A_173 = arith.index_cast %sub3A_65 : i32 to index
        %get3A_174 = arith.constant 112 : index
        %get3A_175 = tpu.vector_load %arg9[%get3A_173, %get3A_174] {strides = array<i32>} : memref<256x128xf32, #tpu.memory_space<vmem>>, vector<16xf32>,
        %get3A_176 = arith.index_cast %sub3A_63 : i32 to index
        %get3A_177 = arith.constant 112 : index
        %get3A_178 = tpu.vector_load %arg10[%get3A_176, %get3A_177] {strides = array<i32>} : memref<128x128xf32, #tpu.memory_space<vmem>>, vector<16xf32>,
        %mul3A_179 = arith.constant 5.000000e-01 : f32
        %mul3A_180 = vector.broadcast %mul3A_179 : f32 to vector<16xf32>
        %mul3A_181 = arith.mulf %mul3A_180, %get3A_175 : vector<16xf32>
        %mul3A_182 = arith.constant 5.000000e-01 : f32
        %mul3A_183 = vector.broadcast %mul3A_182 : f32 to vector<16xf32>
        %mul3A_184 = arith.mulf %mul3A_183, %get3A_178 : vector<16xf32>
        %add3A_185 = arith.addf %mul3A_181, %mul3A_184 : vector<16xf32>
        %mul3A_186 = arith.mulf %add3A_185, %add3A_185 : vector<16xf32>
        %add3A_187 = arith.addf %add3A_172, %mul3A_186 : vector<16xf32>
        %reduce_sum3A = arith.constant true
        %reduce_sum3A_188 = vector.broadcast %reduce_sum3A : i1 to vector<16xi1>
        %reduce_sum3A_189 = tpu.scan <sum>, %add3A_187 masked %reduce_sum3A_188 : vector<16xf32>, vector<16xi1> -> vector<16xf32>
        %reduce_sum3A_190 = vector.extract %reduce_sum3A_189[15] : f32 from vector<16xf32>
        %broadcast_in_dim3A_191 = vector.broadcast %reduce_sum3A_190 : f32 to vector<16xf32>
        %max3A = arith.constant 1.000000e-24 : f32
        %max3A_192 = vector.broadcast %max3A : f32 to vector<16xf32>
        %max3A_193 = arith.maximumf %broadcast_in_dim3A_191, %max3A_192 : vector<16xf32>
        %bitcast3A = vector.bitcast %max3A_193 : vector<16xf32> to vector<16xi32>
        %shift_right_arithmetic3A = arith.constant 1 : i32
        %shift_right_arithmetic3A_194 = vector.broadcast %shift_right_arithmetic3A : i32 to vector<16xi32>
        %shift_right_arithmetic3A_195 = arith.shrsi %bitcast3A, %shift_right_arithmetic3A_194 : vector<16xi32>
        %sub3A_196 = arith.constant 1597463007 : i32
        %sub3A_197 = vector.broadcast %sub3A_196 : i32 to vector<16xi32>
        %sub3A_198 = arith.subi %sub3A_197, %shift_right_arithmetic3A_195 : vector<16xi32>
        %bitcast3A_199 = vector.bitcast %sub3A_198 : vector<16xi32> to vector<16xf32>
        %mul3A_200 = arith.constant 5.000000e-01 : f32
        %mul3A_201 = vector.broadcast %mul3A_200 : f32 to vector<16xf32>
        %mul3A_202 = arith.mulf %mul3A_201, %max3A_193 : vector<16xf32>
        %mul3A_203 = arith.mulf %mul3A_202, %bitcast3A_199 : vector<16xf32>
        %mul3A_204 = arith.mulf %mul3A_203, %bitcast3A_199 : vector<16xf32>
        %sub3A_205 = arith.constant 1.500000e+00 : f32
        %sub3A_206 = vector.broadcast %sub3A_205 : f32 to vector<16xf32>
        %sub3A_207 = arith.subf %sub3A_206, %mul3A_204 : vector<16xf32>
        %mul3A_208 = arith.mulf %bitcast3A_199, %sub3A_207 : vector<16xf32>
        %mul3A_209 = arith.mulf %mul3A_202, %mul3A_208 : vector<16xf32>
        %mul3A_210 = arith.mulf %mul3A_209, %mul3A_208 : vector<16xf32>
        %sub3A_211 = arith.constant 1.500000e+00 : f32
        %sub3A_212 = vector.broadcast %sub3A_211 : f32 to vector<16xf32>
        %sub3A_213 = arith.subf %sub3A_212, %mul3A_210 : vector<16xf32>
        %mul3A_214 = arith.mulf %mul3A_208, %sub3A_213 : vector<16xf32>
        %mul3A_215 = arith.mulf %mul3A_202, %mul3A_214 : vector<16xf32>
        %mul3A_216 = arith.mulf %mul3A_215, %mul3A_214 : vector<16xf32>
        %sub3A_217 = arith.constant 1.500000e+00 : f32
        %sub3A_218 = vector.broadcast %sub3A_217 : f32 to vector<16xf32>
        %sub3A_219 = arith.subf %sub3A_218, %mul3A_216 : vector<16xf32>
        %mul3A_220 = arith.mulf %mul3A_214, %sub3A_219 : vector<16xf32>
        %mul3A_221 = arith.mulf %mul3A_202, %mul3A_220 : vector<16xf32>
        %mul3A_222 = arith.mulf %mul3A_221, %mul3A_220 : vector<16xf32>
        %sub3A_223 = arith.constant 1.500000e+00 : f32
        %sub3A_224 = vector.broadcast %sub3A_223 : f32 to vector<16xf32>
        %sub3A_225 = arith.subf %sub3A_224, %mul3A_222 : vector<16xf32>
        %mul3A_226 = arith.mulf %mul3A_220, %sub3A_225 : vector<16xf32>
        %mul3A_227 = arith.mulf %add3A_80, %mul3A_226 : vector<16xf32>
        %swap3A = arith.index_cast %sub3A_65 : i32 to index
        %swap3A_228 = arith.constant 0 : index
        %swap3A_229 = tpu.vector_load %arg9[%swap3A, %swap3A_228] {strides = array<i32>} : memref<256x128xf32, #tpu.memory_space<vmem>>, vector<16xf32>,
        tpu.vector_store %arg9[%swap3A, %swap3A_228], %mul3A_227 {strides = array<i32>} : memref<256x128xf32, #tpu.memory_space<vmem>>, vector<16xf32>,
        %mul3A_230 = arith.mulf %add3A_95, %mul3A_226 : vector<16xf32>
        %swap3A_231 = arith.index_cast %sub3A_65 : i32 to index
        %swap3A_232 = arith.constant 16 : index
        %swap3A_233 = tpu.vector_load %arg9[%swap3A_231, %swap3A_232] {strides = array<i32>} : memref<256x128xf32, #tpu.memory_space<vmem>>, vector<16xf32>,
        tpu.vector_store %arg9[%swap3A_231, %swap3A_232], %mul3A_230 {strides = array<i32>} : memref<256x128xf32, #tpu.memory_space<vmem>>, vector<16xf32>,
        %mul3A_234 = arith.mulf %add3A_110, %mul3A_226 : vector<16xf32>
        %swap3A_235 = arith.index_cast %sub3A_65 : i32 to index
        %swap3A_236 = arith.constant 32 : index
        %swap3A_237 = tpu.vector_load %arg9[%swap3A_235, %swap3A_236] {strides = array<i32>} : memref<256x128xf32, #tpu.memory_space<vmem>>, vector<16xf32>,
        tpu.vector_store %arg9[%swap3A_235, %swap3A_236], %mul3A_234 {strides = array<i32>} : memref<256x128xf32, #tpu.memory_space<vmem>>, vector<16xf32>,
        %mul3A_238 = arith.mulf %add3A_125, %mul3A_226 : vector<16xf32>
        %swap3A_239 = arith.index_cast %sub3A_65 : i32 to index
        %swap3A_240 = arith.constant 48 : index
        %swap3A_241 = tpu.vector_load %arg9[%swap3A_239, %swap3A_240] {strides = array<i32>} : memref<256x128xf32, #tpu.memory_space<vmem>>, vector<16xf32>,
        tpu.vector_store %arg9[%swap3A_239, %swap3A_240], %mul3A_238 {strides = array<i32>} : memref<256x128xf32, #tpu.memory_space<vmem>>, vector<16xf32>,
        %mul3A_242 = arith.mulf %add3A_140, %mul3A_226 : vector<16xf32>
        %swap3A_243 = arith.index_cast %sub3A_65 : i32 to index
        %swap3A_244 = arith.constant 64 : index
        %swap3A_245 = tpu.vector_load %arg9[%swap3A_243, %swap3A_244] {strides = array<i32>} : memref<256x128xf32, #tpu.memory_space<vmem>>, vector<16xf32>,
        tpu.vector_store %arg9[%swap3A_243, %swap3A_244], %mul3A_242 {strides = array<i32>} : memref<256x128xf32, #tpu.memory_space<vmem>>, vector<16xf32>,
        %mul3A_246 = arith.mulf %add3A_155, %mul3A_226 : vector<16xf32>
        %swap3A_247 = arith.index_cast %sub3A_65 : i32 to index
        %swap3A_248 = arith.constant 80 : index
        %swap3A_249 = tpu.vector_load %arg9[%swap3A_247, %swap3A_248] {strides = array<i32>} : memref<256x128xf32, #tpu.memory_space<vmem>>, vector<16xf32>,
        tpu.vector_store %arg9[%swap3A_247, %swap3A_248], %mul3A_246 {strides = array<i32>} : memref<256x128xf32, #tpu.memory_space<vmem>>, vector<16xf32>,
        %mul3A_250 = arith.mulf %add3A_170, %mul3A_226 : vector<16xf32>
        %swap3A_251 = arith.index_cast %sub3A_65 : i32 to index
        %swap3A_252 = arith.constant 96 : index
        %swap3A_253 = tpu.vector_load %arg9[%swap3A_251, %swap3A_252] {strides = array<i32>} : memref<256x128xf32, #tpu.memory_space<vmem>>, vector<16xf32>,
        tpu.vector_store %arg9[%swap3A_251, %swap3A_252], %mul3A_250 {strides = array<i32>} : memref<256x128xf32, #tpu.memory_space<vmem>>, vector<16xf32>,
        %mul3A_254 = arith.mulf %add3A_185, %mul3A_226 : vector<16xf32>
        %swap3A_255 = arith.index_cast %sub3A_65 : i32 to index
        %swap3A_256 = arith.constant 112 : index
        %swap3A_257 = tpu.vector_load %arg9[%swap3A_255, %swap3A_256] {strides = array<i32>} : memref<256x128xf32, #tpu.memory_space<vmem>>, vector<16xf32>,
        tpu.vector_store %arg9[%swap3A_255, %swap3A_256], %mul3A_254 {strides = array<i32>} : memref<256x128xf32, #tpu.memory_space<vmem>>, vector<16xf32>,
      }
      %while3A_61 = arith.constant 1 : i32
      scf.for %while3A_62 = %while3A_59 to %while3A_55 step %while3A_61  : i32 {
        %sub3A_63 = arith.subi %while3A_62, %mul3A_45 : i32
        %get3A = arith.index_cast %while3A_62 : i32 to index
        %get3A_64 = tpu.vector_load %arg8[%get3A] {strides = array<i32>} : memref<4112xi32, #tpu.memory_space<vmem>>, vector<16xi32>,
        %slice3A = vector.extract_strided_slice %get3A_64 {offsets = [0], sizes = [1], strides = [1]} : vector<16xi32> to vector<1xi32>
        %squeeze3A = vector.extract %slice3A[0] : i32 from vector<1xi32>
        %sub3A_65 = arith.subi %squeeze3A, %mul3A_2 : i32
        %broadcast_in_dim3A_66 = arith.constant 0.000000e+00 : f32
        %broadcast_in_dim3A_67 = vector.broadcast %broadcast_in_dim3A_66 : f32 to vector<16xf32>
        %get3A_68 = arith.index_cast %sub3A_65 : i32 to index
        %get3A_69 = arith.constant 0 : index
        %get3A_70 = tpu.vector_load %arg9[%get3A_68, %get3A_69] {strides = array<i32>} : memref<256x128xf32, #tpu.memory_space<vmem>>, vector<16xf32>,
        %get3A_71 = arith.index_cast %sub3A_63 : i32 to index
        %get3A_72 = arith.constant 0 : index
        %get3A_73 = tpu.vector_load %arg10[%get3A_71, %get3A_72] {strides = array<i32>} : memref<128x128xf32, #tpu.memory_space<vmem>>, vector<16xf32>,
        %mul3A_74 = arith.constant 5.000000e-01 : f32
        %mul3A_75 = vector.broadcast %mul3A_74 : f32 to vector<16xf32>
        %mul3A_76 = arith.mulf %mul3A_75, %get3A_70 : vector<16xf32>
        %mul3A_77 = arith.constant 5.000000e-01 : f32
        %mul3A_78 = vector.broadcast %mul3A_77 : f32 to vector<16xf32>
        %mul3A_79 = arith.mulf %mul3A_78, %get3A_73 : vector<16xf32>
        %add3A_80 = arith.addf %mul3A_76, %mul3A_79 : vector<16xf32>
        %mul3A_81 = arith.mulf %add3A_80, %add3A_80 : vector<16xf32>
        %add3A_82 = arith.addf %broadcast_in_dim3A_67, %mul3A_81 : vector<16xf32>
        %get3A_83 = arith.index_cast %sub3A_65 : i32 to index
        %get3A_84 = arith.constant 16 : index
        %get3A_85 = tpu.vector_load %arg9[%get3A_83, %get3A_84] {strides = array<i32>} : memref<256x128xf32, #tpu.memory_space<vmem>>, vector<16xf32>,
        %get3A_86 = arith.index_cast %sub3A_63 : i32 to index
        %get3A_87 = arith.constant 16 : index
        %get3A_88 = tpu.vector_load %arg10[%get3A_86, %get3A_87] {strides = array<i32>} : memref<128x128xf32, #tpu.memory_space<vmem>>, vector<16xf32>,
        %mul3A_89 = arith.constant 5.000000e-01 : f32
        %mul3A_90 = vector.broadcast %mul3A_89 : f32 to vector<16xf32>
        %mul3A_91 = arith.mulf %mul3A_90, %get3A_85 : vector<16xf32>
        %mul3A_92 = arith.constant 5.000000e-01 : f32
        %mul3A_93 = vector.broadcast %mul3A_92 : f32 to vector<16xf32>
        %mul3A_94 = arith.mulf %mul3A_93, %get3A_88 : vector<16xf32>
        %add3A_95 = arith.addf %mul3A_91, %mul3A_94 : vector<16xf32>
        %mul3A_96 = arith.mulf %add3A_95, %add3A_95 : vector<16xf32>
        %add3A_97 = arith.addf %add3A_82, %mul3A_96 : vector<16xf32>
        %get3A_98 = arith.index_cast %sub3A_65 : i32 to index
        %get3A_99 = arith.constant 32 : index
        %get3A_100 = tpu.vector_load %arg9[%get3A_98, %get3A_99] {strides = array<i32>} : memref<256x128xf32, #tpu.memory_space<vmem>>, vector<16xf32>,
        %get3A_101 = arith.index_cast %sub3A_63 : i32 to index
        %get3A_102 = arith.constant 32 : index
        %get3A_103 = tpu.vector_load %arg10[%get3A_101, %get3A_102] {strides = array<i32>} : memref<128x128xf32, #tpu.memory_space<vmem>>, vector<16xf32>,
        %mul3A_104 = arith.constant 5.000000e-01 : f32
        %mul3A_105 = vector.broadcast %mul3A_104 : f32 to vector<16xf32>
        %mul3A_106 = arith.mulf %mul3A_105, %get3A_100 : vector<16xf32>
        %mul3A_107 = arith.constant 5.000000e-01 : f32
        %mul3A_108 = vector.broadcast %mul3A_107 : f32 to vector<16xf32>
        %mul3A_109 = arith.mulf %mul3A_108, %get3A_103 : vector<16xf32>
        %add3A_110 = arith.addf %mul3A_106, %mul3A_109 : vector<16xf32>
        %mul3A_111 = arith.mulf %add3A_110, %add3A_110 : vector<16xf32>
        %add3A_112 = arith.addf %add3A_97, %mul3A_111 : vector<16xf32>
        %get3A_113 = arith.index_cast %sub3A_65 : i32 to index
        %get3A_114 = arith.constant 48 : index
        %get3A_115 = tpu.vector_load %arg9[%get3A_113, %get3A_114] {strides = array<i32>} : memref<256x128xf32, #tpu.memory_space<vmem>>, vector<16xf32>,
        %get3A_116 = arith.index_cast %sub3A_63 : i32 to index
        %get3A_117 = arith.constant 48 : index
        %get3A_118 = tpu.vector_load %arg10[%get3A_116, %get3A_117] {strides = array<i32>} : memref<128x128xf32, #tpu.memory_space<vmem>>, vector<16xf32>,
        %mul3A_119 = arith.constant 5.000000e-01 : f32
        %mul3A_120 = vector.broadcast %mul3A_119 : f32 to vector<16xf32>
        %mul3A_121 = arith.mulf %mul3A_120, %get3A_115 : vector<16xf32>
        %mul3A_122 = arith.constant 5.000000e-01 : f32
        %mul3A_123 = vector.broadcast %mul3A_122 : f32 to vector<16xf32>
        %mul3A_124 = arith.mulf %mul3A_123, %get3A_118 : vector<16xf32>
        %add3A_125 = arith.addf %mul3A_121, %mul3A_124 : vector<16xf32>
        %mul3A_126 = arith.mulf %add3A_125, %add3A_125 : vector<16xf32>
        %add3A_127 = arith.addf %add3A_112, %mul3A_126 : vector<16xf32>
        %get3A_128 = arith.index_cast %sub3A_65 : i32 to index
        %get3A_129 = arith.constant 64 : index
        %get3A_130 = tpu.vector_load %arg9[%get3A_128, %get3A_129] {strides = array<i32>} : memref<256x128xf32, #tpu.memory_space<vmem>>, vector<16xf32>,
        %get3A_131 = arith.index_cast %sub3A_63 : i32 to index
        %get3A_132 = arith.constant 64 : index
        %get3A_133 = tpu.vector_load %arg10[%get3A_131, %get3A_132] {strides = array<i32>} : memref<128x128xf32, #tpu.memory_space<vmem>>, vector<16xf32>,
        %mul3A_134 = arith.constant 5.000000e-01 : f32
        %mul3A_135 = vector.broadcast %mul3A_134 : f32 to vector<16xf32>
        %mul3A_136 = arith.mulf %mul3A_135, %get3A_130 : vector<16xf32>
        %mul3A_137 = arith.constant 5.000000e-01 : f32
        %mul3A_138 = vector.broadcast %mul3A_137 : f32 to vector<16xf32>
        %mul3A_139 = arith.mulf %mul3A_138, %get3A_133 : vector<16xf32>
        %add3A_140 = arith.addf %mul3A_136, %mul3A_139 : vector<16xf32>
        %mul3A_141 = arith.mulf %add3A_140, %add3A_140 : vector<16xf32>
        %add3A_142 = arith.addf %add3A_127, %mul3A_141 : vector<16xf32>
        %get3A_143 = arith.index_cast %sub3A_65 : i32 to index
        %get3A_144 = arith.constant 80 : index
        %get3A_145 = tpu.vector_load %arg9[%get3A_143, %get3A_144] {strides = array<i32>} : memref<256x128xf32, #tpu.memory_space<vmem>>, vector<16xf32>,
        %get3A_146 = arith.index_cast %sub3A_63 : i32 to index
        %get3A_147 = arith.constant 80 : index
        %get3A_148 = tpu.vector_load %arg10[%get3A_146, %get3A_147] {strides = array<i32>} : memref<128x128xf32, #tpu.memory_space<vmem>>, vector<16xf32>,
        %mul3A_149 = arith.constant 5.000000e-01 : f32
        %mul3A_150 = vector.broadcast %mul3A_149 : f32 to vector<16xf32>
        %mul3A_151 = arith.mulf %mul3A_150, %get3A_145 : vector<16xf32>
        %mul3A_152 = arith.constant 5.000000e-01 : f32
        %mul3A_153 = vector.broadcast %mul3A_152 : f32 to vector<16xf32>
        %mul3A_154 = arith.mulf %mul3A_153, %get3A_148 : vector<16xf32>
        %add3A_155 = arith.addf %mul3A_151, %mul3A_154 : vector<16xf32>
        %mul3A_156 = arith.mulf %add3A_155, %add3A_155 : vector<16xf32>
        %add3A_157 = arith.addf %add3A_142, %mul3A_156 : vector<16xf32>
        %get3A_158 = arith.index_cast %sub3A_65 : i32 to index
        %get3A_159 = arith.constant 96 : index
        %get3A_160 = tpu.vector_load %arg9[%get3A_158, %get3A_159] {strides = array<i32>} : memref<256x128xf32, #tpu.memory_space<vmem>>, vector<16xf32>,
        %get3A_161 = arith.index_cast %sub3A_63 : i32 to index
        %get3A_162 = arith.constant 96 : index
        %get3A_163 = tpu.vector_load %arg10[%get3A_161, %get3A_162] {strides = array<i32>} : memref<128x128xf32, #tpu.memory_space<vmem>>, vector<16xf32>,
        %mul3A_164 = arith.constant 5.000000e-01 : f32
        %mul3A_165 = vector.broadcast %mul3A_164 : f32 to vector<16xf32>
        %mul3A_166 = arith.mulf %mul3A_165, %get3A_160 : vector<16xf32>
        %mul3A_167 = arith.constant 5.000000e-01 : f32
        %mul3A_168 = vector.broadcast %mul3A_167 : f32 to vector<16xf32>
        %mul3A_169 = arith.mulf %mul3A_168, %get3A_163 : vector<16xf32>
        %add3A_170 = arith.addf %mul3A_166, %mul3A_169 : vector<16xf32>
        %mul3A_171 = arith.mulf %add3A_170, %add3A_170 : vector<16xf32>
        %add3A_172 = arith.addf %add3A_157, %mul3A_171 : vector<16xf32>
        %get3A_173 = arith.index_cast %sub3A_65 : i32 to index
        %get3A_174 = arith.constant 112 : index
        %get3A_175 = tpu.vector_load %arg9[%get3A_173, %get3A_174] {strides = array<i32>} : memref<256x128xf32, #tpu.memory_space<vmem>>, vector<16xf32>,
        %get3A_176 = arith.index_cast %sub3A_63 : i32 to index
        %get3A_177 = arith.constant 112 : index
        %get3A_178 = tpu.vector_load %arg10[%get3A_176, %get3A_177] {strides = array<i32>} : memref<128x128xf32, #tpu.memory_space<vmem>>, vector<16xf32>,
        %mul3A_179 = arith.constant 5.000000e-01 : f32
        %mul3A_180 = vector.broadcast %mul3A_179 : f32 to vector<16xf32>
        %mul3A_181 = arith.mulf %mul3A_180, %get3A_175 : vector<16xf32>
        %mul3A_182 = arith.constant 5.000000e-01 : f32
        %mul3A_183 = vector.broadcast %mul3A_182 : f32 to vector<16xf32>
        %mul3A_184 = arith.mulf %mul3A_183, %get3A_178 : vector<16xf32>
        %add3A_185 = arith.addf %mul3A_181, %mul3A_184 : vector<16xf32>
        %mul3A_186 = arith.mulf %add3A_185, %add3A_185 : vector<16xf32>
        %add3A_187 = arith.addf %add3A_172, %mul3A_186 : vector<16xf32>
        %reduce_sum3A = arith.constant true
        %reduce_sum3A_188 = vector.broadcast %reduce_sum3A : i1 to vector<16xi1>
        %reduce_sum3A_189 = tpu.scan <sum>, %add3A_187 masked %reduce_sum3A_188 : vector<16xf32>, vector<16xi1> -> vector<16xf32>
        %reduce_sum3A_190 = vector.extract %reduce_sum3A_189[15] : f32 from vector<16xf32>
        %broadcast_in_dim3A_191 = vector.broadcast %reduce_sum3A_190 : f32 to vector<16xf32>
        %max3A = arith.constant 1.000000e-24 : f32
        %max3A_192 = vector.broadcast %max3A : f32 to vector<16xf32>
        %max3A_193 = arith.maximumf %broadcast_in_dim3A_191, %max3A_192 : vector<16xf32>
        %bitcast3A = vector.bitcast %max3A_193 : vector<16xf32> to vector<16xi32>
        %shift_right_arithmetic3A = arith.constant 1 : i32
        %shift_right_arithmetic3A_194 = vector.broadcast %shift_right_arithmetic3A : i32 to vector<16xi32>
        %shift_right_arithmetic3A_195 = arith.shrsi %bitcast3A, %shift_right_arithmetic3A_194 : vector<16xi32>
        %sub3A_196 = arith.constant 1597463007 : i32
        %sub3A_197 = vector.broadcast %sub3A_196 : i32 to vector<16xi32>
        %sub3A_198 = arith.subi %sub3A_197, %shift_right_arithmetic3A_195 : vector<16xi32>
        %bitcast3A_199 = vector.bitcast %sub3A_198 : vector<16xi32> to vector<16xf32>
        %mul3A_200 = arith.constant 5.000000e-01 : f32
        %mul3A_201 = vector.broadcast %mul3A_200 : f32 to vector<16xf32>
        %mul3A_202 = arith.mulf %mul3A_201, %max3A_193 : vector<16xf32>
        %mul3A_203 = arith.mulf %mul3A_202, %bitcast3A_199 : vector<16xf32>
        %mul3A_204 = arith.mulf %mul3A_203, %bitcast3A_199 : vector<16xf32>
        %sub3A_205 = arith.constant 1.500000e+00 : f32
        %sub3A_206 = vector.broadcast %sub3A_205 : f32 to vector<16xf32>
        %sub3A_207 = arith.subf %sub3A_206, %mul3A_204 : vector<16xf32>
        %mul3A_208 = arith.mulf %bitcast3A_199, %sub3A_207 : vector<16xf32>
        %mul3A_209 = arith.mulf %mul3A_202, %mul3A_208 : vector<16xf32>
        %mul3A_210 = arith.mulf %mul3A_209, %mul3A_208 : vector<16xf32>
        %sub3A_211 = arith.constant 1.500000e+00 : f32
        %sub3A_212 = vector.broadcast %sub3A_211 : f32 to vector<16xf32>
        %sub3A_213 = arith.subf %sub3A_212, %mul3A_210 : vector<16xf32>
        %mul3A_214 = arith.mulf %mul3A_208, %sub3A_213 : vector<16xf32>
        %mul3A_215 = arith.mulf %mul3A_202, %mul3A_214 : vector<16xf32>
        %mul3A_216 = arith.mulf %mul3A_215, %mul3A_214 : vector<16xf32>
        %sub3A_217 = arith.constant 1.500000e+00 : f32
        %sub3A_218 = vector.broadcast %sub3A_217 : f32 to vector<16xf32>
        %sub3A_219 = arith.subf %sub3A_218, %mul3A_216 : vector<16xf32>
        %mul3A_220 = arith.mulf %mul3A_214, %sub3A_219 : vector<16xf32>
        %mul3A_221 = arith.mulf %mul3A_202, %mul3A_220 : vector<16xf32>
        %mul3A_222 = arith.mulf %mul3A_221, %mul3A_220 : vector<16xf32>
        %sub3A_223 = arith.constant 1.500000e+00 : f32
        %sub3A_224 = vector.broadcast %sub3A_223 : f32 to vector<16xf32>
        %sub3A_225 = arith.subf %sub3A_224, %mul3A_222 : vector<16xf32>
        %mul3A_226 = arith.mulf %mul3A_220, %sub3A_225 : vector<16xf32>
        %mul3A_227 = arith.mulf %add3A_80, %mul3A_226 : vector<16xf32>
        %swap3A = arith.index_cast %sub3A_65 : i32 to index
        %swap3A_228 = arith.constant 0 : index
        %swap3A_229 = tpu.vector_load %arg9[%swap3A, %swap3A_228] {strides = array<i32>} : memref<256x128xf32, #tpu.memory_space<vmem>>, vector<16xf32>,
        tpu.vector_store %arg9[%swap3A, %swap3A_228], %mul3A_227 {strides = array<i32>} : memref<256x128xf32, #tpu.memory_space<vmem>>, vector<16xf32>,
        %mul3A_230 = arith.mulf %add3A_95, %mul3A_226 : vector<16xf32>
        %swap3A_231 = arith.index_cast %sub3A_65 : i32 to index
        %swap3A_232 = arith.constant 16 : index
        %swap3A_233 = tpu.vector_load %arg9[%swap3A_231, %swap3A_232] {strides = array<i32>} : memref<256x128xf32, #tpu.memory_space<vmem>>, vector<16xf32>,
        tpu.vector_store %arg9[%swap3A_231, %swap3A_232], %mul3A_230 {strides = array<i32>} : memref<256x128xf32, #tpu.memory_space<vmem>>, vector<16xf32>,
        %mul3A_234 = arith.mulf %add3A_110, %mul3A_226 : vector<16xf32>
        %swap3A_235 = arith.index_cast %sub3A_65 : i32 to index
        %swap3A_236 = arith.constant 32 : index
        %swap3A_237 = tpu.vector_load %arg9[%swap3A_235, %swap3A_236] {strides = array<i32>} : memref<256x128xf32, #tpu.memory_space<vmem>>, vector<16xf32>,
        tpu.vector_store %arg9[%swap3A_235, %swap3A_236], %mul3A_234 {strides = array<i32>} : memref<256x128xf32, #tpu.memory_space<vmem>>, vector<16xf32>,
        %mul3A_238 = arith.mulf %add3A_125, %mul3A_226 : vector<16xf32>
        %swap3A_239 = arith.index_cast %sub3A_65 : i32 to index
        %swap3A_240 = arith.constant 48 : index
        %swap3A_241 = tpu.vector_load %arg9[%swap3A_239, %swap3A_240] {strides = array<i32>} : memref<256x128xf32, #tpu.memory_space<vmem>>, vector<16xf32>,
        tpu.vector_store %arg9[%swap3A_239, %swap3A_240], %mul3A_238 {strides = array<i32>} : memref<256x128xf32, #tpu.memory_space<vmem>>, vector<16xf32>,
        %mul3A_242 = arith.mulf %add3A_140, %mul3A_226 : vector<16xf32>
        %swap3A_243 = arith.index_cast %sub3A_65 : i32 to index
        %swap3A_244 = arith.constant 64 : index
        %swap3A_245 = tpu.vector_load %arg9[%swap3A_243, %swap3A_244] {strides = array<i32>} : memref<256x128xf32, #tpu.memory_space<vmem>>, vector<16xf32>,
        tpu.vector_store %arg9[%swap3A_243, %swap3A_244], %mul3A_242 {strides = array<i32>} : memref<256x128xf32, #tpu.memory_space<vmem>>, vector<16xf32>,
        %mul3A_246 = arith.mulf %add3A_155, %mul3A_226 : vector<16xf32>
        %swap3A_247 = arith.index_cast %sub3A_65 : i32 to index
        %swap3A_248 = arith.constant 80 : index
        %swap3A_249 = tpu.vector_load %arg9[%swap3A_247, %swap3A_248] {strides = array<i32>} : memref<256x128xf32, #tpu.memory_space<vmem>>, vector<16xf32>,
        tpu.vector_store %arg9[%swap3A_247, %swap3A_248], %mul3A_246 {strides = array<i32>} : memref<256x128xf32, #tpu.memory_space<vmem>>, vector<16xf32>,
        %mul3A_250 = arith.mulf %add3A_170, %mul3A_226 : vector<16xf32>
        %swap3A_251 = arith.index_cast %sub3A_65 : i32 to index
        %swap3A_252 = arith.constant 96 : index
        %swap3A_253 = tpu.vector_load %arg9[%swap3A_251, %swap3A_252] {strides = array<i32>} : memref<256x128xf32, #tpu.memory_space<vmem>>, vector<16xf32>,
        tpu.vector_store %arg9[%swap3A_251, %swap3A_252], %mul3A_250 {strides = array<i32>} : memref<256x128xf32, #tpu.memory_space<vmem>>, vector<16xf32>,
        %mul3A_254 = arith.mulf %add3A_185, %mul3A_226 : vector<16xf32>
        %swap3A_255 = arith.index_cast %sub3A_65 : i32 to index
        %swap3A_256 = arith.constant 112 : index
        %swap3A_257 = tpu.vector_load %arg9[%swap3A_255, %swap3A_256] {strides = array<i32>} : memref<256x128xf32, #tpu.memory_space<vmem>>, vector<16xf32>,
        tpu.vector_store %arg9[%swap3A_255, %swap3A_256], %mul3A_254 {strides = array<i32>} : memref<256x128xf32, #tpu.memory_space<vmem>>, vector<16xf32>,
      }
    }
    "tpu.region"() ({
      %run_scoped3A = tpu.sem_alloc : memref<!tpu.dma_semaphore, #tpu.memory_space<semaphore_mem>>
      %dma_start3A = arith.constant 0 : i32
      %dma_start3A_43 = tpu.memref_slice %arg5[%mul3A_2, %dma_start3A] : memref<8192x128xf32, #tpu.memory_space<hbm>> -> memref<256x128xf32, #tpu.memory_space<hbm>>
      %dma_start3A_44 = arith.constant 0 : i32
      %dma_start3A_45 = tpu.memref_slice %arg5[%mul3A_2, %dma_start3A_44] : memref<8192x128xf32, #tpu.memory_space<hbm>> -> memref<256x128xf32, #tpu.memory_space<hbm>>
      tpu.enqueue_dma source(%arg9 : memref<256x128xf32, #tpu.memory_space<vmem>>) target(%dma_start3A_45 : memref<256x128xf32, #tpu.memory_space<hbm>>) target_semaphore(%run_scoped3A : memref<!tpu.dma_semaphore, #tpu.memory_space<semaphore_mem>>)
      %dma_wait3A = arith.constant 0 : i32
      %dma_wait3A_46 = tpu.memref_slice %arg5[%mul3A_2, %dma_wait3A] : memref<8192x128xf32, #tpu.memory_space<hbm>> -> memref<256x128xf32, #tpu.memory_space<hbm>>
      %dma_wait3A_47 = arith.constant 0 : i32
      %dma_wait3A_48 = tpu.memref_slice %arg5[%mul3A_2, %dma_wait3A_47] : memref<8192x128xf32, #tpu.memory_space<hbm>> -> memref<256x128xf32, #tpu.memory_space<hbm>>
      tpu.wait_dma2 semaphore(%run_scoped3A : memref<!tpu.dma_semaphore, #tpu.memory_space<semaphore_mem>>) src(%arg9 : memref<256x128xf32, #tpu.memory_space<vmem>>) dst(%dma_wait3A_48 : memref<256x128xf32, #tpu.memory_space<hbm>>)
      tpu.yield
    }) : () -> ()
    return
  }
}

module attributes {stable_mosaic.version = 14 : i64} {
  func.func @_loss_body(%arg0: i32, %arg1: memref<256x128xf32, #tpu.memory_space<vmem>>, %arg2: memref<8192x128xf32, #tpu.memory_space<vmem>>, %arg3: memref<1x1xf32, #tpu.memory_space<smem>>) attributes {dimension_semantics = [#tpu.dimension_semantics<arbitrary>], iteration_bounds = array<i64: 32>, scalar_prefetch = 0 : i64, scratch_operands = 0 : i64, tpu.core_type = #tpu.core_type<tc>, window_params = [{transform_indices = @transform_0, window_bounds = array<i64: 256, 128>}, {pipeline_mode = #tpu.pipeline_mode<synchronous>, transform_indices = @transform_1, window_bounds = array<i64: 8192, 128>}, {transform_indices = @transform_2, window_bounds = array<i64: 1, 1>}]} {
    %get3A = arith.constant 0 : index
    %get3A_0 = arith.constant 0 : index
    %get3A_1 = vector.load %arg1[%get3A, %get3A_0] : memref<256x128xf32, #tpu.memory_space<vmem>>, vector<256x128xf32>
    %broadcast_in_dim3A = arith.constant 0.000000e+00 : f32
    %broadcast_in_dim3A_2 = vector.broadcast %broadcast_in_dim3A : f32 to vector<256xf32>
    %get3A_3 = arith.constant 0 : index
    %get3A_4 = arith.constant 0 : index
    %get3A_5 = vector.load %arg2[%get3A_3, %get3A_4] : memref<8192x128xf32, #tpu.memory_space<vmem>>, vector<1024x128xf32>
    %dot_general3A = arith.constant dense<0.000000e+00> : vector<256x1024xf32>
    %dot_general3A_6 = tpu.matmul %get3A_1, %get3A_5, %dot_general3A {dimension_numbers = #tpu.dot_dimension_numbers<[1], [1], [0], [0], [0, 0, 1, 0], [], []>, transpose_lhs_hint = false} : vector<256x128xf32>, vector<1024x128xf32>, vector<256x1024xf32> -> vector<256x1024xf32>
    %div3A = arith.constant 1.000000e-01 : f32
    %div3A_7 = vector.broadcast %div3A : f32 to vector<256x1024xf32>
    %div3A_8 = arith.divf %dot_general3A_6, %div3A_7 : vector<256x1024xf32>
    %exp3A = math.exp %div3A_8 : vector<256x1024xf32>
    %reduce_sum3A = arith.constant dense<0.000000e+00> : vector<256xf32>
    %reduce_sum3A_9 = vector.multi_reduction <add>, %exp3A, %reduce_sum3A [1] : vector<256x1024xf32> to vector<256xf32>
    %add3A = arith.addf %broadcast_in_dim3A_2, %reduce_sum3A_9 : vector<256xf32>
    %get3A_10 = arith.constant 1024 : index
    %get3A_11 = arith.constant 0 : index
    %get3A_12 = vector.load %arg2[%get3A_10, %get3A_11] : memref<8192x128xf32, #tpu.memory_space<vmem>>, vector<1024x128xf32>
    %dot_general3A_13 = arith.constant dense<0.000000e+00> : vector<256x1024xf32>
    %dot_general3A_14 = tpu.matmul %get3A_1, %get3A_12, %dot_general3A_13 {dimension_numbers = #tpu.dot_dimension_numbers<[1], [1], [0], [0], [0, 0, 1, 0], [], []>, transpose_lhs_hint = false} : vector<256x128xf32>, vector<1024x128xf32>, vector<256x1024xf32> -> vector<256x1024xf32>
    %div3A_15 = arith.constant 1.000000e-01 : f32
    %div3A_16 = vector.broadcast %div3A_15 : f32 to vector<256x1024xf32>
    %div3A_17 = arith.divf %dot_general3A_14, %div3A_16 : vector<256x1024xf32>
    %exp3A_18 = math.exp %div3A_17 : vector<256x1024xf32>
    %reduce_sum3A_19 = arith.constant dense<0.000000e+00> : vector<256xf32>
    %reduce_sum3A_20 = vector.multi_reduction <add>, %exp3A_18, %reduce_sum3A_19 [1] : vector<256x1024xf32> to vector<256xf32>
    %add3A_21 = arith.addf %add3A, %reduce_sum3A_20 : vector<256xf32>
    %get3A_22 = arith.constant 2048 : index
    %get3A_23 = arith.constant 0 : index
    %get3A_24 = vector.load %arg2[%get3A_22, %get3A_23] : memref<8192x128xf32, #tpu.memory_space<vmem>>, vector<1024x128xf32>
    %dot_general3A_25 = arith.constant dense<0.000000e+00> : vector<256x1024xf32>
    %dot_general3A_26 = tpu.matmul %get3A_1, %get3A_24, %dot_general3A_25 {dimension_numbers = #tpu.dot_dimension_numbers<[1], [1], [0], [0], [0, 0, 1, 0], [], []>, transpose_lhs_hint = false} : vector<256x128xf32>, vector<1024x128xf32>, vector<256x1024xf32> -> vector<256x1024xf32>
    %div3A_27 = arith.constant 1.000000e-01 : f32
    %div3A_28 = vector.broadcast %div3A_27 : f32 to vector<256x1024xf32>
    %div3A_29 = arith.divf %dot_general3A_26, %div3A_28 : vector<256x1024xf32>
    %exp3A_30 = math.exp %div3A_29 : vector<256x1024xf32>
    %reduce_sum3A_31 = arith.constant dense<0.000000e+00> : vector<256xf32>
    %reduce_sum3A_32 = vector.multi_reduction <add>, %exp3A_30, %reduce_sum3A_31 [1] : vector<256x1024xf32> to vector<256xf32>
    %add3A_33 = arith.addf %add3A_21, %reduce_sum3A_32 : vector<256xf32>
    %get3A_34 = arith.constant 3072 : index
    %get3A_35 = arith.constant 0 : index
    %get3A_36 = vector.load %arg2[%get3A_34, %get3A_35] : memref<8192x128xf32, #tpu.memory_space<vmem>>, vector<1024x128xf32>
    %dot_general3A_37 = arith.constant dense<0.000000e+00> : vector<256x1024xf32>
    %dot_general3A_38 = tpu.matmul %get3A_1, %get3A_36, %dot_general3A_37 {dimension_numbers = #tpu.dot_dimension_numbers<[1], [1], [0], [0], [0, 0, 1, 0], [], []>, transpose_lhs_hint = false} : vector<256x128xf32>, vector<1024x128xf32>, vector<256x1024xf32> -> vector<256x1024xf32>
    %div3A_39 = arith.constant 1.000000e-01 : f32
    %div3A_40 = vector.broadcast %div3A_39 : f32 to vector<256x1024xf32>
    %div3A_41 = arith.divf %dot_general3A_38, %div3A_40 : vector<256x1024xf32>
    %exp3A_42 = math.exp %div3A_41 : vector<256x1024xf32>
    %reduce_sum3A_43 = arith.constant dense<0.000000e+00> : vector<256xf32>
    %reduce_sum3A_44 = vector.multi_reduction <add>, %exp3A_42, %reduce_sum3A_43 [1] : vector<256x1024xf32> to vector<256xf32>
    %add3A_45 = arith.addf %add3A_33, %reduce_sum3A_44 : vector<256xf32>
    %get3A_46 = arith.constant 4096 : index
    %get3A_47 = arith.constant 0 : index
    %get3A_48 = vector.load %arg2[%get3A_46, %get3A_47] : memref<8192x128xf32, #tpu.memory_space<vmem>>, vector<1024x128xf32>
    %dot_general3A_49 = arith.constant dense<0.000000e+00> : vector<256x1024xf32>
    %dot_general3A_50 = tpu.matmul %get3A_1, %get3A_48, %dot_general3A_49 {dimension_numbers = #tpu.dot_dimension_numbers<[1], [1], [0], [0], [0, 0, 1, 0], [], []>, transpose_lhs_hint = false} : vector<256x128xf32>, vector<1024x128xf32>, vector<256x1024xf32> -> vector<256x1024xf32>
    %div3A_51 = arith.constant 1.000000e-01 : f32
    %div3A_52 = vector.broadcast %div3A_51 : f32 to vector<256x1024xf32>
    %div3A_53 = arith.divf %dot_general3A_50, %div3A_52 : vector<256x1024xf32>
    %exp3A_54 = math.exp %div3A_53 : vector<256x1024xf32>
    %reduce_sum3A_55 = arith.constant dense<0.000000e+00> : vector<256xf32>
    %reduce_sum3A_56 = vector.multi_reduction <add>, %exp3A_54, %reduce_sum3A_55 [1] : vector<256x1024xf32> to vector<256xf32>
    %add3A_57 = arith.addf %add3A_45, %reduce_sum3A_56 : vector<256xf32>
    %get3A_58 = arith.constant 5120 : index
    %get3A_59 = arith.constant 0 : index
    %get3A_60 = vector.load %arg2[%get3A_58, %get3A_59] : memref<8192x128xf32, #tpu.memory_space<vmem>>, vector<1024x128xf32>
    %dot_general3A_61 = arith.constant dense<0.000000e+00> : vector<256x1024xf32>
    %dot_general3A_62 = tpu.matmul %get3A_1, %get3A_60, %dot_general3A_61 {dimension_numbers = #tpu.dot_dimension_numbers<[1], [1], [0], [0], [0, 0, 1, 0], [], []>, transpose_lhs_hint = false} : vector<256x128xf32>, vector<1024x128xf32>, vector<256x1024xf32> -> vector<256x1024xf32>
    %div3A_63 = arith.constant 1.000000e-01 : f32
    %div3A_64 = vector.broadcast %div3A_63 : f32 to vector<256x1024xf32>
    %div3A_65 = arith.divf %dot_general3A_62, %div3A_64 : vector<256x1024xf32>
    %exp3A_66 = math.exp %div3A_65 : vector<256x1024xf32>
    %reduce_sum3A_67 = arith.constant dense<0.000000e+00> : vector<256xf32>
    %reduce_sum3A_68 = vector.multi_reduction <add>, %exp3A_66, %reduce_sum3A_67 [1] : vector<256x1024xf32> to vector<256xf32>
    %add3A_69 = arith.addf %add3A_57, %reduce_sum3A_68 : vector<256xf32>
    %get3A_70 = arith.constant 6144 : index
    %get3A_71 = arith.constant 0 : index
    %get3A_72 = vector.load %arg2[%get3A_70, %get3A_71] : memref<8192x128xf32, #tpu.memory_space<vmem>>, vector<1024x128xf32>
    %dot_general3A_73 = arith.constant dense<0.000000e+00> : vector<256x1024xf32>
    %dot_general3A_74 = tpu.matmul %get3A_1, %get3A_72, %dot_general3A_73 {dimension_numbers = #tpu.dot_dimension_numbers<[1], [1], [0], [0], [0, 0, 1, 0], [], []>, transpose_lhs_hint = false} : vector<256x128xf32>, vector<1024x128xf32>, vector<256x1024xf32> -> vector<256x1024xf32>
    %div3A_75 = arith.constant 1.000000e-01 : f32
    %div3A_76 = vector.broadcast %div3A_75 : f32 to vector<256x1024xf32>
    %div3A_77 = arith.divf %dot_general3A_74, %div3A_76 : vector<256x1024xf32>
    %exp3A_78 = math.exp %div3A_77 : vector<256x1024xf32>
    %reduce_sum3A_79 = arith.constant dense<0.000000e+00> : vector<256xf32>
    %reduce_sum3A_80 = vector.multi_reduction <add>, %exp3A_78, %reduce_sum3A_79 [1] : vector<256x1024xf32> to vector<256xf32>
    %add3A_81 = arith.addf %add3A_69, %reduce_sum3A_80 : vector<256xf32>
    %get3A_82 = arith.constant 7168 : index
    %get3A_83 = arith.constant 0 : index
    %get3A_84 = vector.load %arg2[%get3A_82, %get3A_83] : memref<8192x128xf32, #tpu.memory_space<vmem>>, vector<1024x128xf32>
    %dot_general3A_85 = arith.constant dense<0.000000e+00> : vector<256x1024xf32>
    %dot_general3A_86 = tpu.matmul %get3A_1, %get3A_84, %dot_general3A_85 {dimension_numbers = #tpu.dot_dimension_numbers<[1], [1], [0], [0], [0, 0, 1, 0], [], []>, transpose_lhs_hint = false} : vector<256x128xf32>, vector<1024x128xf32>, vector<256x1024xf32> -> vector<256x1024xf32>
    %div3A_87 = arith.constant 1.000000e-01 : f32
    %div3A_88 = vector.broadcast %div3A_87 : f32 to vector<256x1024xf32>
    %div3A_89 = arith.divf %dot_general3A_86, %div3A_88 : vector<256x1024xf32>
    %exp3A_90 = math.exp %div3A_89 : vector<256x1024xf32>
    %reduce_sum3A_91 = arith.constant dense<0.000000e+00> : vector<256xf32>
    %reduce_sum3A_92 = vector.multi_reduction <add>, %exp3A_90, %reduce_sum3A_91 [1] : vector<256x1024xf32> to vector<256xf32>
    %add3A_93 = arith.addf %add3A_81, %reduce_sum3A_92 : vector<256xf32>
    %mul3A = arith.mulf %get3A_1, %get3A_1 : vector<256x128xf32>
    %reduce_sum3A_94 = arith.constant dense<0.000000e+00> : vector<256xf32>
    %reduce_sum3A_95 = vector.multi_reduction <add>, %mul3A, %reduce_sum3A_94 [1] : vector<256x128xf32> to vector<256xf32>
    %div3A_96 = arith.constant 1.000000e-01 : f32
    %div3A_97 = vector.broadcast %div3A_96 : f32 to vector<256xf32>
    %div3A_98 = arith.divf %reduce_sum3A_95, %div3A_97 : vector<256xf32>
    %exp3A_99 = math.exp %div3A_98 : vector<256xf32>
    %sub3A = arith.subf %add3A_93, %exp3A_99 : vector<256xf32>
    %div3A_100 = arith.constant 8.191000e+03 : f32
    %div3A_101 = vector.broadcast %div3A_100 : f32 to vector<256xf32>
    %div3A_102 = arith.divf %sub3A, %div3A_101 : vector<256xf32>
    %log3A = math.log %div3A_102 : vector<256xf32>
    %reduce_sum3A_103 = vector.shape_cast %log3A : vector<256xf32> to vector<1x256xf32>
    %reduce_sum3A_104 = arith.constant dense<0.000000e+00> : vector<1xf32>
    %reduce_sum3A_105 = vector.multi_reduction <add>, %reduce_sum3A_103, %reduce_sum3A_104 [1] : vector<1x256xf32> to vector<1xf32>
    %reduce_sum3A_106 = vector.shape_cast %reduce_sum3A_105 : vector<1xf32> to vector<1x1xf32>
    %reduce_sum3A_107 = vector.extract %reduce_sum3A_106[0, 0] : f32 from vector<1x1xf32>
    %eq3A = arith.constant 0 : i32
    %eq3A_108 = arith.cmpi eq, %arg0, %eq3A : i32
    %convert_element_type3A = arith.extui %eq3A_108 : i1 to i32
    %cond3A = arith.constant 0 : i32
    %cond3A_109 = arith.cmpi ne, %convert_element_type3A, %cond3A : i32
    scf.if %cond3A_109 {
      %swap3A_121 = arith.constant 0.000000e+00 : f32
      %swap3A_122 = arith.constant 0 : index
      %swap3A_123 = arith.constant 0 : index
      %swap3A_124 = memref.load %arg3[%swap3A_122, %swap3A_123] : memref<1x1xf32, #tpu.memory_space<smem>>
      memref.store %swap3A_121, %arg3[%swap3A_122, %swap3A_123] : memref<1x1xf32, #tpu.memory_space<smem>>
    } else {
    }
    %get3A_110 = arith.constant 0 : index
    %get3A_111 = arith.constant 0 : index
    %get3A_112 = memref.load %arg3[%get3A_110, %get3A_111] : memref<1x1xf32, #tpu.memory_space<smem>>
    %add3A_113 = arith.addf %get3A_112, %reduce_sum3A_107 : f32
    %swap3A = arith.constant 0 : index
    %swap3A_114 = arith.constant 0 : index
    %swap3A_115 = memref.load %arg3[%swap3A, %swap3A_114] : memref<1x1xf32, #tpu.memory_space<smem>>
    memref.store %add3A_113, %arg3[%swap3A, %swap3A_114] : memref<1x1xf32, #tpu.memory_space<smem>>
    %eq3A_116 = arith.constant 31 : i32
    %eq3A_117 = arith.cmpi eq, %arg0, %eq3A_116 : i32
    %convert_element_type3A_118 = arith.extui %eq3A_117 : i1 to i32
    %cond3A_119 = arith.constant 0 : i32
    %cond3A_120 = arith.cmpi ne, %convert_element_type3A_118, %cond3A_119 : i32
    scf.if %cond3A_120 {
      %get3A_121 = arith.constant 0 : index
      %get3A_122 = arith.constant 0 : index
      %get3A_123 = memref.load %arg3[%get3A_121, %get3A_122] : memref<1x1xf32, #tpu.memory_space<smem>>
      %div3A_124 = arith.constant 8.192000e+03 : f32
      %div3A_125 = arith.divf %get3A_123, %div3A_124 : f32
      %swap3A_126 = arith.constant 0 : index
      %swap3A_127 = arith.constant 0 : index
      %swap3A_128 = memref.load %arg3[%swap3A_126, %swap3A_127] : memref<1x1xf32, #tpu.memory_space<smem>>
      memref.store %div3A_125, %arg3[%swap3A_126, %swap3A_127] : memref<1x1xf32, #tpu.memory_space<smem>>
    } else {
    }
    return
  }
  func.func @transform_0(%arg0: i32) -> (i32, i32) {
    %c0_i32 = arith.constant 0 : i32
    %c0_i32_0 = arith.constant 0 : i32
    return %arg0, %c0_i32 : i32, i32
  }
  func.func @transform_1(%arg0: i32) -> (i32, i32) {
    %c0_i32 = arith.constant 0 : i32
    %c0_i32_0 = arith.constant 0 : i32
    %c0_i32_1 = arith.constant 0 : i32
    return %c0_i32, %c0_i32_0 : i32, i32
  }
  func.func @transform_2(%arg0: i32) -> (i32, i32) {
    %c0_i32 = arith.constant 0 : i32
    %c0_i32_0 = arith.constant 0 : i32
    %c0_i32_1 = arith.constant 0 : i32
    return %c0_i32, %c0_i32_0 : i32, i32
  }
}

</mosaic_0001>

<sc_bundles>
// kernel: kernel.4.cloned.1.call-start
scs
__scs_entry_jumppad:
0x0: {  	(pc) =	sbr.rel $0x88, $3  }
0x1: {  	(tag) =	ssettag $0x0;
	lr =	simm.s32 $0x1  }
0x2: {  	[smem:$0x3F9E] =	sst lr;
	_ =	strace $0xD0000000  }
0x3: {  	_ = 	snop  }
0x4: {  	_ = 	snop  }
0x5: {  	_ = 	snop  }
0x6: {  	_ = 	snop  }
0x7: {  	_ = 	snop  }
__scs_overlays_trampoline_lowered:
0x8: {  	[smem:$0x3FAD] =	sst s0  }
0x9: {  	[smem:$0x3FAE] =	sst s1  }
0xa: {  	[smem:$0x3FAF] =	sst s2  }
0xb: {  	[smem:$0x3FB0] =	sst s3  }
0xc: {  	[smem:$0x3FB1] =	sst s4  }
0xd: {  	[smem:$0x3FB2] =	sst s5  }
0xe: {  	[smem:$0x3FB3] =	sst s6  }
0xf: {  	[smem:$0x3FB4] =	sst s7  }
0x10: {  	[smem:$0x3FB5] =	sst s8  }
0x11: {  	[smem:$0x3FB6] =	sst s9;
	s0 =	simm.s32 @!p0 $0x0  }
0x12: {  	s1 =	sld [smem:$0x3F9C];
	s0 =	simm.s32 @p0 $0x1  }
0x13: {  	[smem:$0x3FB7] =	sst s0;
	s0 =	simm.s32 @!p1 $0x0  }
0x14: {  	s2 =	sld [smem:$0x3F9B];
	s0 =	simm.s32 @p1 $0x1  }
0x15: {  	[smem:$0x3FB8] =	sst s0;
	s0 =	simm.s32 @!p2 $0x0  }
0x16: {  	s3 =	sld [smem:$0x3FDB];
	s0 =	simm.s32 @p2 $0x1  }
0x17: {  	s4 =	simm.s32 $0x1BF5;
	[smem:$0x3FBA] =	sst s0  }
0x18: {  	s0 =	sld [smem:$0x3F9D];
	_ =	swait.ge [sflag:s4], $0x0  }
0x19: {  	s7 =	sld [smem:$0x3F9E]  }
0x1a: {  	s8 =	sadd.s32 $0xFFFFE003, lr  }
0x1b: {  	s9 =	sadd.s32 $0xFFFFFEF7, lr;
	s5 =	simm.s32 $0xFFFFFFFF;
	p2 =	slt.u32 s8, $0xFFFFF086  }
0x1c: {  	p1 =	slt.u32 s9, $0xF7A;
	s5 =	simm.s32 @!p2 $0x0  }
0x1d: {  	s5 =	simm.s32 @p1 $0x1;
	p0 =	seq.s32 s7, s2  }
0x1e: {  	s7 =	smul.u32 @!p0 $0xF7A, s2;
	p2 =	seq.s32 @!p0 s5, $0x0  }
0x1f: {  	s9 =	smul.u32 $0xF7A, s1;
	s8 =	simm.s32 @!p0 $0x1BF5;
	p2 =	por !p2, p0  }
0x20: {  	[sflag:s8] =	ssyncset.s32 @!p0 $0xFFFFF086;
	s6 =	sadd.s32 @!p0 s3, s7;
	s7 =	simm.s32 @!p0 $0x108  }
0x21: {  	s3 =	sadd.s32 s3, s9;
	s6 =	sadd.s32 @!p0 $0x88, s6;
	s7 =	simm.s32 @p2 $0x1082  }
0x22: {  	[simem:s7], [sflag:s8] =	dma.local @!p0 [hbm:s6], $0xF7A  }
0x23: {  	s9 =	sor.u32 $0xD0000000, s2;
	s6 =	simm.s32 $0x108;
	_ =	swait.ge @!p0 [sflag:s8], $0x0  }
0x24: {  	s3 =	sadd.s32 $0x88, s3;
	s6 =	simm.s32 @!p1 $0x1082;
	[sflag:s4] =	ssyncset.s32 $0xFFFFF086  }
0x25: {  	[simem:s6], [sflag:s4] =	dma.local [hbm:s3], $0xF7A  }
0x26: {  	[smem:$0x3F9E] =	sst s1;
	(tag) =	ssettag s2;
	_ =	strace s9  }
0x27: {  	s1 =	sld [smem:$0x3FAE]  }
0x28: {  	s2 =	sld [smem:$0x3FAF]  }
0x29: {  	s4 =	sld [smem:$0x3FB1]  }
0x2a: {  	p0 =	seq.s32 s5, $0x0;
	s5 =	sld [smem:$0x3FB2]  }
0x2b: {  	s6 =	sld [smem:$0x3FB3]  }
0x2c: {  	s7 =	sld [smem:$0x3FB4]  }
0x2d: {  	s3 =	simm.s32 $0x108;
	s8 =	sld [smem:$0x3FB5]  }
0x2e: {  	s3 =	simm.s32 @!p0 $0x1082;
	s9 =	sld [smem:$0x3FB6]  }
0x2f: {  	lr =	sadd.s32 s0, s3;
	s0 =	sld [smem:$0x3FAD]  }
0x30: {  	s3 =	sld [smem:$0x3FB0]  }
0x31: {  	[smem:$0x3FB9] =	sst s10  }
0x32: {  	s10 =	sld [smem:$0x3FB7];
	_ =	sdelay $0x3  }
0x33: {  	p0 =	seq.s32 s10, $0x1;
	s10 =	sld [smem:$0x3FB9];
	_ =	sdelay $0x3  }
0x34: {  	[smem:$0x3FB9] =	sst s10  }
0x35: {  	s10 =	sld [smem:$0x3FB8];
	_ =	sdelay $0x3  }
0x36: {  	p1 =	seq.s32 s10, $0x1;
	s10 =	sld [smem:$0x3FB9];
	_ =	sdelay $0x3  }
0x37: {  	[smem:$0x3FB9] =	sst s10  }
0x38: {  	s10 =	sld [smem:$0x3FBA]  }
0x39: {  	_ = 	snop;
	(pc) =	sbr.ind lr, $3  }
0x3a: {  	_ = 	snop  }
0x3b: {  	_ = 	snop  }
0x3c: {  	p2 =	seq.s32 s10, $0x1;
	s10 =	sld [smem:$0x3FB9]  }
0x3d: {  	_ =	shalt  }
0x3e: {  	_ =	shalt  }
0x3f: {  	_ =	shalt  }
0x40: {  	_ =	shalt  }
0x41: {  	_ =	shalt  }
0x42: {  	_ =	shalt  }
0x43: {  	_ =	shalt  }
0x44: {  	_ =	shalt  }
0x45: {  	_ =	shalt  }
0x46: {  	_ =	shalt  }
0x47: {  	_ =	shalt  }
0x48: {  	_ =	shalt  }
0x49: {  	_ =	shalt  }
0x4a: {  	_ =	shalt  }
0x4b: {  	_ =	shalt  }
0x4c: {  	_ =	shalt  }
0x4d: {  	_ =	shalt  }
0x4e: {  	_ =	shalt  }
0x4f: {  	_ =	shalt  }
0x50: {  	_ =	shalt  }
0x51: {  	_ =	shalt  }
0x52: {  	_ =	shalt  }
0x53: {  	_ =	shalt  }
0x54: {  	_ =	shalt  }
0x55: {  	_ =	shalt  }
0x56: {  	_ =	shalt  }
0x57: {  	_ =	shalt  }
0x58: {  	_ =	shalt  }
0x59: {  	_ =	shalt  }
0x5a: {  	_ =	shalt  }
0x5b: {  	_ =	shalt  }
0x5c: {  	_ =	shalt  }
0x5d: {  	_ =	shalt  }
0x5e: {  	_ =	shalt  }
0x5f: {  	_ =	shalt  }
0x60: {  	_ =	shalt  }
0x61: {  	_ =	shalt  }
0x62: {  	_ =	shalt  }
0x63: {  	_ =	shalt  }
0x64: {  	_ =	shalt  }
0x65: {  	_ =	shalt  }
0x66: {  	_ =	shalt  }
0x67: {  	_ =	shalt  }
0x68: {  	_ =	shalt  }
0x69: {  	_ =	shalt  }
0x6a: {  	_ =	shalt  }
0x6b: {  	_ =	shalt  }
0x6c: {  	_ =	shalt  }
0x6d: {  	_ =	shalt  }
0x6e: {  	_ =	shalt  }
0x6f: {  	_ =	shalt  }
0x70: {  	_ =	shalt  }
0x71: {  	_ =	shalt  }
0x72: {  	_ =	shalt  }
0x73: {  	_ =	shalt  }
0x74: {  	_ =	shalt  }
0x75: {  	_ =	shalt  }
0x76: {  	_ =	shalt  }
0x77: {  	_ =	shalt  }
0x78: {  	_ =	shalt  }
0x79: {  	_ =	shalt  }
0x7a: {  	_ =	shalt  }
0x7b: {  	_ =	shalt  }
0x7c: {  	_ =	shalt  }
0x7d: {  	_ =	shalt  }
0x7e: {  	_ =	shalt  }
0x7f: {  	_ =	shalt  }
0x80: {  	_ =	shalt  }
0x81: {  	_ =	shalt  }
0x82: {  	_ =	shalt  }
0x83: {  	_ =	shalt  }
0x84: {  	_ =	shalt  }
0x85: {  	_ =	shalt  }
0x86: {  	_ =	shalt  }
0x87: {  	_ =	shalt  }
.Lfunc_end0:
.L_simem_size_0:
called_computation_lowered:
.L_overlay_start_0:
0x88: {  	s2 =	sld [smem:$0x3FD9]  }
0x89: {  	s3 =	sld [smem:$0x3FFE];
	_ =	sdelay $0x1  }
0x8a: {  	s1 =	srdreg.scid  }
0x8b: {  	s0 =	sand.u32 $0x1, s1  }
0x8c: {  	s17 =	sshll.u32 s0, $0xA;
	s2 =	sadd.s32 s3, s2  }
0x8d: {  	s2 =	sadd.s32 s2, s17  }
0x8e: {  	[smem:$0x3FC5] =	sst s2  }
0x8f: {  	_ = 	snop  }
0x90: {  	s2 =	sld [smem:$0x3FC9]  }
0x91: {  	s18 =	sld [smem:$0x3FC8]  }
0x92: {  	s4 =	sld [smem:$0x3FC7];
	(tm) =	ssettm $0x1  }
0x93: {  	s5 =	sld [smem:$0x3FFB];
	_ =	sdelay $0x3  }
0x94: {  	_ =	strace s5  }
0x95: {  	s5 =	sld [smem:$0x3FFC];
	_ =	sdelay $0x3  }
0x96: {  	_ =	strace s5  }
0x97: {  	s5 =	sld [smem:$0x3FFD];
	_ =	sdelay $0x3  }
0x98: {  	_ =	strace s5  }
0x99: {  	_ =	strace $0x8FFFFFFF  }
0x9a: {  	s19 =	sld [smem:$0x3FDB];
	_ =	sdelay $0x1  }
0x9b: {  	s6 =	simm.s32 $_scs_section_size  }
0x9c: {  	s7 =	simm.s32 $_size__tile_overlayer_lowered;
	s8 =	simm.s32 $_tile_overlayer_lowered  }
0x9d: {  	s22 =	simm.s32 $0x1BFF;
	s21 =	sshll.u32 s8, $0x1;
	s5 =	sadd.s32 s6, s19  }
0x9e: {  	s9 =	simm.s32 $0x0;
	s20 =	sshll.u32 s7, $0x1;
	s7 =	sadd.s32 s21, s5  }
0x9f: {  	[timem:s9], [sflag:s22] =	dma.local [hbm:s7], s20  }
0xa0: {  	_ =	swait.ge [sflag:s22], s20  }
0xa1: {  	s6 =	ssub.s32 $0x0, s20;
	[sflag:s22] =	ssyncset.done $0x0  }
0xa2: {  	[sflag:s22] =	ssyncadd.s32 s6;
	_ =	sdelay $0x1  }
0xa3: {  	s23 =	simm.s32 $0x1B8B  }
0xa4: {  	_ =	swait.ge [sflag:s23], $0x1  }
0xa5: {  	[sflag:s23] =	ssyncset.done $0x0  }
0xa6: {  	s25 =	simm.s32 $0x1B8E;
	s24 =	sld [smem:$0x3FFE];
	[sflag:s23] =	ssyncadd.s32 $0xFFFFFFFF  }
0xa7: {  	s26 =	simm.s32 $execute0_lowered;
	[smem:$0x3FD2] =	sst s25  }
0xa8: {  	s7 =	sshll.u32 s26, $0x1;
	_ =	strace $0x80000046;
	[dreg:$0x1] =	wrdreg $0xFFFFFFFF  }
0xa9: {  	s28 =	simm.s32 $_size_execute0_lowered;
	s5 =	sadd.s32 s5, s7;
	[dreg:$0x0] =	wrdreg $0x0  }
0xaa: {  	s7 =	sshll.u32 s28, $0x1;
	[dreg:$0x2] =	wrdreg s5  }
0xab: {  	[dreg:$0x3] =	wrdreg s7  }
0xac: {  	[dreg:$0x4] =	wrdreg $0xC0  }
0xad: {  	_ =	task [dreg:s9], $0x5FFFF  }
0xae: {  	[dreg:$0x1] =	wrdreg $0xFFFFFFFF  }
0xaf: {  	[dreg:$0x0] =	wrdreg $0x60  }
0xb0: {  	[dreg:$0x2] =	wrdreg s2  }
0xb1: {  	[dreg:$0x3] =	wrdreg s18  }
0xb2: {  	[dreg:$0x4] =	wrdreg s4  }
0xb3: {  	[dreg:$0x5] =	wrdreg s24  }
0xb4: {  	[dreg:$0x6] =	wrdreg $0x9  }
0xb5: {  	_ =	task.clear_ibuf [dreg:s9], $0x7FFFF;
	_ =	strace $0x90000046  }
0xb6: {  	s29 =	simm.s32 $0x9;
	_ =	strace $0x80000048  }
0xb7: {  	_ =	swait.ge [sflag:s29], $0x1  }
0xb8: {  	[sflag:s29] =	ssyncadd.s32 $0xFFFFFFFF  }
0xb9: {  	_ =	strace $0x90000048  }
0xba: {  	_ =	sfence  }
0xbb: {  	s30 =	sld [smem:$0x0];
	_ =	sdelay $0x2  }
0xbc: {  	s31 =	sshll.u32 s1, $0xD;
	s1 =	sshrl.u32 s1, $0x2  }
0xbd: {  	s3 =	sand.u32 $0x4000, s31;
	s1 =	sadd.s32 s1, s30  }
0xbe: {  	s0 =	sor.u32 s3, s0;
	s1 =	sshll.u32 s1, $0x11  }
0xbf: {  	s0 =	sor.u32 s1, s0  }
0xc0: {  	s0 =	sadd.s32 $0x8F2B, s0  }
0xc1: {  	[sflag:s0] =	ssyncadd.remote.s32 $0x1  }
0xc2: {  	_ =	sfence.sel $0xFFFF  }
0xc3: {  	[dreg:$0x0] =	wrdreg $0xFFFFFFFF;
	(pc) =	sbr.abs _section_cstart, $3  }
0xc4: {  	[dreg:$0x1] =	wrdreg $0xFFFFFFFF  }
0xc5: {  	_ =	task.clear_ibuf [dreg:s9], $0x2FFFF;
	_ =	strace $0x9FFFFFFF  }
0xc6: {  	(tm) =	ssettm $0x7FFFFFFF  }
0xc7: {  	_ =	shalt  }
tec
execute0_lowered:
.L_overlay_start_1:
0x0: {  	(tag) =	ssettag $0x1  }
0x1: {  	s0 =	rddreg [dreg:$0x0]  }
0x2: {  	s3 =	rddreg [dreg:$0x1]  }
0x3: {  	s6 =	rddreg [dreg:$0x2]  }
0x4: {  	s1 =	srdreg.scid;
	s7 =	rddreg [dreg:$0x3]  }
0x5: {  	s2 =	stileid.u32;
	s4 =	simm.s32 $0x0;
	s11 =	simm.s32 $0x1000  }
0x6: {  	s12 =	simm.s32 $0x2080;
	s13 =	simm.s32 $0x1;
	s15 =	simm.s32 $0xB100  }
0x7: {  	s16 =	simm.s32 $0x0;
	s8 =	sand.u32 $0x1, s1;
	s1 =	rddreg [dreg:$0x4]  }
0x8: {  	s5 =	sshll.u32 s2, $0x9;
	[smem:$0x7FF] =	sst s4;
	s9 =	sshll.u32 s8, $0x8  }
.Ltmp0:
0x9: {  	s8 =	ssub.s32 $0x2, s8;
	s5 =	sor.u32 s9, s5;
	(pc) =	sbr.rel .LBB2_1-.Ltmp0, $4  }
0xa: {  	_ =	strace $0x80000047;
	s10 =	sshrl.u32 s8, $0x1;
	s9 =	sshll.u32 s5, $0x4  }
0xb: {  	s8 =	ssub.s32 s8, s10;
	s14 =	sadd.s32 $0x100, s5;
	s10 =	simm.s32 $0x3100  }
0xc: {  	v2 =	vimm.s32 $0x0;
	s7 =	sadd.s32 s9, s7;
	s6 =	sadd.s32 s6, s9;
	s8 =	smax.u32 s8, $0x1  }
0xd: {  	v3 =	vlaneseq.u32;
	v0 =	vmov s5;
	s9 =	simm.s32 $0x2;
	v1 =	vmov s14;
	s14 =	simm.s32 $0x80;
	s7 =	sadd.s32 $0x600, s7  }
.LBB2_12:
0xe: {  	s16 =	sadd.s32 $0x1, s16  }
0xf: {  	p0 =	sne.s32 s16, s8  }
.Ltmp1:
0x10: {  	_ = 	snop;
	(pc) =	sbr.rel @!p0 .LBB2_13-.Ltmp1, $4  }
0x11: {  	[hbm4b:s7+s4] =	stream.linear.scatter [tilespmem:s10], [sflag:$0x2], $0x8000, $0x38;
	[tilespmem:$0xF100] =	vst v63  }
0x12: {  	_ =	swait.ge [sflag:s9], $0x8000  }
0x13: {  	[sflag:s9] =	ssyncset.done $0x0  }
0x14: {  	[sflag:s9] =	ssyncadd.s32 $0xFFFF8000  }
.LBB2_1:
0x15: {  	[tilespmem:s4], [sflag:$0x2] =	stream.linear.gather [hbm4b:s3+s4], $0x1000, $0x38;
	[tilespmem:$0xF100] =	vst v63  }
0x16: {  	_ =	swait.ge [sflag:s9], $0x1000  }
0x17: {  	[sflag:s9] =	ssyncset.done $0x0  }
0x18: {  	[sflag:s9] =	ssyncadd.s32 $0xFFFFF000  }
0x19: {  	[tilespmem:s10], [sflag:$0x2] =	stream.linear.gather [hbm4b:s6+s4], $0x8000, $0x38;
	[tilespmem:$0xF100] =	vst v63  }
0x1a: {  	_ =	swait.ge [sflag:s9], $0x8000  }
0x1b: {  	[sflag:s9] =	ssyncset.done $0x0  }
0x1c: {  	s17 =	simm.s32 $0x0;
	[sflag:s9] =	ssyncadd.s32 $0xFFFF8000  }
.LBB2_2:
0x1d: {  	p0 =	sne.s32 s17, $0x4000  }
.Ltmp2:
0x1e: {  	_ = 	snop;
	(pc) =	sbr.rel @p0 .LBB2_2-.Ltmp2, $3  }
0x1f: {  	_ =	sdelay $0x1  }
0x20: {  	s18 =	sshra.s32 s17, $0x2  }
0x21: {  	s17 =	sadd.s32 $0x40, s17;
	[tilespmem:s18+$0x1000] =	vst v2  }
0x22: {  	s17 =	simm.s32 $0x0  }
0x23: {  	v4 =	vld [tilespmem:s17+$0x0];
	_ =	sdelay $0x4  }
0x24: {  	vm0 =	vge.s32 v4, v0;
	vm1 =	vlt.s32 v4, v1  }
0x25: {  	vm0 =	vmand vm0, vm1  }
0x26: {  	v5 =	vmpcnt.ones.xlane vm0  }
0x27: {  	v6 =	vsel vm0, $0x1, v2  }
0x28: {  	(xrf0) =	vadd.scan.msk.s32 $0xffff, v6;
	(v2sf) =	vpush v5, $0x0;
	_ =	sdelay $0x2  }
0x29: {  	v5 =	vmov s17  }
0x2a: {  	v5 =	vadd.s32 $0xFFFFFFFF, v5  }
0x2b: {  	v5 =	vbroadcast v5, $0x0  }
0x2c: {  	v6, _, _ =	vpop (xrf0)  }
0x2d: {  	v5 =	vadd.s32 v6, v5;
	_ =	sdelay $0x3  }
0x2e: {  	v6 =	vor.u32 s17, v3  }
0x2f: {  	[tilespmem:v5+s11+$0x0] =	vst.idx.msk vm0, v6  }
0x30: {  	s18 =	simm.s32 $0x10;
	[tilespmem:v5+s12+$0x0] =	vst.idx.msk vm0, v4  }
0x31: {  	v4 =	vld [tilespmem:s18+$0x0]  }
0x32: {  	s19 =	simm.s32 $0x20;
	s20 =	simm.s32 $0x10;
	s21 =	spop (v2sf)  }
.LBB2_4:
0x33: {  	p0 =	sne.s32 s19, $0xFF0  }
0x34: {  	s17 =	sadd.s32 s17, s21;
	s21 =	smov.u32 s19;
	s19 =	sadd.s32 $0x10, s19  }
0x35: {  	v5 =	vmov s17  }
0x36: {  	vm0 =	vge.s32 v4, v0;
	vm1 =	vlt.s32 v4, v1;
	v5 =	vadd.s32 $0xFFFFFFFF, v5  }
0x37: {  	vm0 =	vmand vm0, vm1  }
0x38: {  	v6 =	vsel vm0, $0x1, v2;
	v7 =	vmpcnt.ones.xlane vm0  }
0x39: {  	(xrf0) =	vadd.scan.msk.s32 $0xffff, v6  }
0x3a: {  	(v2sf) =	vpush v7, $0x0;
	_ =	sdelay $0x3  }
0x3b: {  	v5 =	vbroadcast v5, $0x0  }
0x3c: {  	v6, _, _ =	vpop (xrf0)  }
0x3d: {  	v5 =	vadd.s32 v6, v5;
	_ =	sdelay $0x3  }
0x3e: {  	v6 =	vor.u32 s18, v3;
	s18 =	smov.u32 s21  }
.Ltmp3:
0x3f: {  	[tilespmem:v5+s11+$0x0] =	vst.idx.msk vm0, v6;
	(pc) =	sbr.rel @p0 .LBB2_4-.Ltmp3, $3  }
0x40: {  	s20 =	sadd.s32 $0x10, s20;
	[tilespmem:v5+s12+$0x0] =	vst.idx.msk vm0, v4  }
0x41: {  	v4 =	vld [tilespmem:s20+$0x0];
	_ =	sdelay $0x1  }
0x42: {  	s21 =	spop (v2sf)  }
0x43: {  	_ =	sdelay $0x1  }
0x44: {  	vm0 =	vge.s32 v4, v0;
	vm1 =	vlt.s32 v4, v1  }
0x45: {  	vm0 =	vmand vm0, vm1  }
0x46: {  	v5 =	vmpcnt.ones.xlane vm0;
	_ =	sdelay $0x1  }
0x47: {  	(v2sf) =	vpush v5, $0x0;
	_ =	sdelay $0xe  }
0x48: {  	s19 =	sadd.s32 s17, s21;
	v5 =	vsel vm0, $0x1, v2;
	s20 =	spop (v2sf)  }
0x49: {  	(xrf0) =	vadd.scan.msk.s32 $0xffff, v5;
	s17 =	sadd.s32 s19, s20  }
0x4a: {  	s30 =	sadd.s32 $0x7F, s17  }
0x4b: {  	s22 =	sand.u32 $0x7F, s30  }
0x4c: {  	v5 =	vmov s19;
	s31 =	sshra.s32 s30, $0x1F;
	p1 =	slt.s32 s30, $0x1;
	p0 =	sne.s32 s22, $0x0  }
0x4d: {  	v5 =	vadd.s32 $0xFFFFFFFF, v5;
	s22 =	sshrl.u32 s31, $0x19;
	p0 =	por !p1, !p0  }
0x4e: {  	v5 =	vbroadcast v5, $0x0;
	s21 =	sadd.s32 s22, s30;
	s22 =	simm.s32 $0x1;
	p0 =	por !p0, !p0  }
0x4f: {  	v6, _, _ =	vpop (xrf0);
	s21 =	sshra.s32 s21, $0x7;
	s22 =	simm.s32 @!p0 $0x0  }
0x50: {  	v63 =	vor.u32 s18, v3;
	v5 =	vadd.s32 v6, v5;
	s18 =	ssub.s32 s21, s22  }
0x51: {  	p0 =	slt.s32 s18, $0x1  }
.Ltmp4:
0x52: {  	_ = 	snop;
	(pc) =	sbr.rel @p0 .LBB2_12-.Ltmp4, $3  }
0x53: {  	_ =	sdelay $0x1  }
0x54: {  	[tilespmem:v5+s11+$0x0] =	vst.idx.msk vm0, v63  }
0x55: {  	[tilespmem:v5+s12+$0x0] =	vst.idx.msk vm0, v4  }
.Ltmp5:
0x56: {  	(pc) =	sbr.rel .LBB2_7-.Ltmp5, $3  }
0x57: {  	_ =	sdelay $0x1  }
0x58: {  	s19 =	sadd.s32 s19, s20;
	s20 =	simm.s32 $0x80  }
0x59: {  	s21 =	simm.s32 $0x0;
	s22 =	simm.s32 $0x2080;
	s23 =	simm.s32 $0x0  }
.LBB2_10:
0x5a: {  	v13 =	vshra.s32 v12, $0x1;
	v61 =	vmul.f32 $5.000000000e-01, v12  }
0x5b: {  	v13 =	vsub.s32 $0x5F3759DF, v13  }
0x5c: {  	v14 =	vmul.f32 v13, v61;
	_ =	sdelay $0x1  }
0x5d: {  	v14 =	vmul.f32 v13, v14;
	_ =	sdelay $0x1  }
0x5e: {  	v14 =	vsub.f32 $1.500000000e+00, v14;
	_ =	sdelay $0x1  }
0x5f: {  	v13 =	vmul.f32 v13, v14;
	_ =	sdelay $0x1  }
0x60: {  	v14 =	vmul.f32 v13, v61;
	_ =	sdelay $0x1  }
0x61: {  	v14 =	vmul.f32 v14, v13;
	_ =	sdelay $0x1  }
0x62: {  	v14 =	vsub.f32 $1.500000000e+00, v14;
	_ =	sdelay $0x1  }
0x63: {  	v13 =	vmul.f32 v14, v13;
	_ =	sdelay $0x1  }
0x64: {  	v14 =	vmul.f32 v13, v61;
	_ =	sdelay $0x1  }
0x65: {  	v14 =	vmul.f32 v14, v13;
	_ =	sdelay $0x1  }
0x66: {  	v14 =	vsub.f32 $1.500000000e+00, v14;
	_ =	sdelay $0x1  }
0x67: {  	v13 =	vmul.f32 v14, v13;
	_ =	sdelay $0x1  }
0x68: {  	v12 =	vmul.f32 v13, v61;
	_ =	sdelay $0x1  }
0x69: {  	v12 =	vmul.f32 v12, v13;
	_ =	sdelay $0x1  }
0x6a: {  	v12 =	vsub.f32 $1.500000000e+00, v12;
	_ =	sdelay $0x1  }
0x6b: {  	v12 =	vmul.f32 v12, v13;
	_ =	sdelay $0x1  }
0x6c: {  	v4 =	vmul.f32 v12, v4  }
0x6d: {  	v10 =	vmul.f32 v12, v10  }
0x6e: {  	v8 =	vmul.f32 v12, v8;
	[tilespmem:s25+$0x3100] =	vst v4  }
0x6f: {  	v62 =	vmul.f32 v12, v7;
	[tilespmem:s25+$0x3150] =	vst v10  }
0x70: {  	v4 =	vmul.f32 v12, v6;
	[tilespmem:s25+$0x3140] =	vst v8  }
0x71: {  	v63 =	vmul.f32 v12, v11;
	[tilespmem:s25+$0x3130] =	vst v62  }
0x72: {  	[tilespmem:s25+$0x3110] =	vst v4;
	v4 =	vmul.f32 v12, v5  }
0x73: {  	[tilespmem:s25+$0x3170] =	vst v63;
	v5 =	vmul.f32 v12, v9  }
0x74: {  	[tilespmem:s25+$0x3120] =	vst v4  }
0x75: {  	[tilespmem:s25+$0x3160] =	vst v5  }
.LBB2_11:
0x76: {  	s23 =	sadd.s32 $0x1, s23  }
0x77: {  	p0 =	sne.s32 s23, s18  }
.Ltmp6:
0x78: {  	_ = 	snop;
	(pc) =	sbr.rel @!p0 .LBB2_12-.Ltmp6, $2  }
0x79: {  	_ =	sdelay $0x2  }
0x7a: {  	s20 =	sadd.s32 $0x80, s20;
	s21 =	sadd.s32 $0xFFFFFF80, s21;
	s22 =	sadd.s32 $0x80, s22  }
.LBB2_7:
0x7b: {  	s24 =	sshll.u32 s23, $0x9;
	s31 =	sshll.u32 s23, $0x7  }
0x7c: {  	s24 =	sshra.s32 s24, $0x2;
	p0 =	sle.s32 s17, s31  }
.Ltmp7:
0x7d: {  	s24 =	sadd.s32 $0x1000, s24;
	(pc) =	sbr.rel @p0 .LBB2_11-.Ltmp7, $4  }
0x7e: {  	[tilespmem:s15], [sflag:$0x1] =	stream.indirect.gather [hbm4b:s0+s14], $0x80, s24, s14, $0xb8;
	[tilespmem:$0xF100] =	vst v63  }
0x7f: {  	_ =	swait.ge [sflag:s13], $0x4000  }
0x80: {  	[sflag:s13] =	ssyncset.done $0x0  }
0x81: {  	[sflag:s13] =	ssyncadd.s32 $0xFFFFC000  }
0x82: {  	v4 =	vld [tilespmem:s22+$0x0];
	_ =	sdelay $0x4  }
0x83: {  	(v2sf) =	vpush v4, $0x0;
	_ =	sdelay $0xe  }
0x84: {  	s24 =	simm.s32 $0xB140;
	s25 =	spop (v2sf)  }
0x85: {  	v5 =	vld [tilespmem:s24+$0xFFFFFFF0];
	s25 =	ssub.s32 s25, s5  }
0x86: {  	v6 =	vld [tilespmem:s24+$0xFFFFFFC0];
	s25 =	sshll.u32 s25, $0x9  }
0x87: {  	v4 =	vld [tilespmem:s24+$0xFFFFFFD0];
	s25 =	sshra.s32 s25, $0x2  }
0x88: {  	v7 =	vld [tilespmem:s25+$0x3100]  }
0x89: {  	v8 =	vld [tilespmem:s25+$0x3110]  }
0x8a: {  	v9 =	vld [tilespmem:s24+$0xFFFFFFE0]  }
0x8b: {  	v10 =	vld [tilespmem:s25+$0x3120]  }
0x8c: {  	v11 =	vld [tilespmem:s24+$0x0]  }
0x8d: {  	v6 =	vmul.f32 $5.000000000e-01, v6;
	v12 =	vld [tilespmem:s25+$0x3130];
	v7 =	vmul.f32 $5.000000000e-01, v7  }
0x8e: {  	v14 =	vmul.f32 $5.000000000e-01, v4;
	v13 =	vld [tilespmem:s25+$0x3140];
	v8 =	vmul.f32 $5.000000000e-01, v8  }
0x8f: {  	v15 =	vld [tilespmem:s24+$0x10];
	v4 =	vadd.f32 v6, v7  }
0x90: {  	v17 =	vld [tilespmem:s24+$0x20];
	v9 =	vmul.f32 $5.000000000e-01, v9;
	v7 =	vmul.f32 $5.000000000e-01, v10;
	v6 =	vadd.f32 v14, v8  }
0x91: {  	v16 =	vld [tilespmem:s25+$0x3150];
	v8 =	vmul.f32 $5.000000000e-01, v5;
	v14 =	vmul.f32 v4, v4  }
0x92: {  	v10 =	vld [tilespmem:s25+$0x3160];
	v5 =	vadd.f32 v9, v7;
	v7 =	vmul.f32 $5.000000000e-01, v12;
	v9 =	vmul.f32 v6, v6  }
0x93: {  	v11 =	vmul.f32 $5.000000000e-01, v11;
	v12 =	vmul.f32 $5.000000000e-01, v13  }
0x94: {  	v7 =	vadd.f32 v8, v7;
	v9 =	vadd.f32 v9, v14;
	v13 =	vmul.f32 v5, v5;
	v14 =	vld [tilespmem:s24+$0x30]  }
0x95: {  	v15 =	vmul.f32 $5.000000000e-01, v15;
	v8 =	vadd.f32 v11, v12;
	v11 =	vld [tilespmem:s25+$0x3170]  }
0x96: {  	v12 =	vmul.f32 $5.000000000e-01, v16;
	v9 =	vadd.f32 v13, v9;
	v13 =	vmul.f32 v7, v7  }
0x97: {  	v17 =	vmul.f32 $5.000000000e-01, v17;
	v63 =	vmul.f32 $5.000000000e-01, v10  }
0x98: {  	v10 =	vadd.f32 v15, v12;
	v12 =	vadd.f32 v13, v9;
	v13 =	vmul.f32 v8, v8  }
0x99: {  	v9 =	vadd.f32 v17, v63;
	v14 =	vmul.f32 $5.000000000e-01, v14  }
0x9a: {  	v11 =	vmul.f32 $5.000000000e-01, v11;
	v12 =	vadd.f32 v13, v12;
	v13 =	vmul.f32 v10, v10;
	_ =	sdelay $0x1  }
0x9b: {  	v15 =	vmul.f32 v9, v9;
	v11 =	vadd.f32 v14, v11;
	v12 =	vadd.f32 v13, v12;
	_ =	sdelay $0x1  }
0x9c: {  	v13 =	vmul.f32 v11, v11;
	v12 =	vadd.f32 v15, v12;
	_ =	sdelay $0x1  }
0x9d: {  	v12 =	vadd.f32 v13, v12;
	_ =	sdelay $0x1  }
0x9e: {  	(xrf2) =	vadd.scan.msk.f32 $0xffff, v12;
	_ =	sdelay $0x4  }
0x9f: {  	p0 =	slt.s32 s20, s19;
	s26 =	smov.u32 s19  }
0xa0: {  	s26 =	smov.u32 @p0 s20  }
0xa1: {  	s26 =	sadd.s32 s21, s26  }
0xa2: {  	p0 =	sne.s32 s26, $0x1  }
.Ltmp8:
0xa3: {  	_ = 	snop;
	(pc) =	sbr.rel @!p0 .LBB2_10-.Ltmp8, $4  }
0xa4: {  	v12, _, _ =	vpop (xrf2)  }
0xa5: {  	v12 =	vmax.f32 v12, $1.000000020e-24  }
0xa6: {  	v12 =	vbroadcast v12, $0xF  }
0xa7: {  	s28 =	smov.u32 s22;
	s26 =	sadd.s32 $0xFFFFFFFF, s26  }
.LBB2_9:
0xa8: {  	p0 =	sne.s32 s26, $0x1;
	v13 =	vshra.s32 v12, $0x1;
	v12 =	vmul.f32 $5.000000000e-01, v12;
	s28 =	sadd.s32 $0x1, s28;
	s24 =	sadd.s32 $0x80, s24  }
0xa9: {  	s26 =	sadd.s32 $0xFFFFFFFF, s26;
	v13 =	vsub.s32 $0x5F3759DF, v13  }
0xaa: {  	v14 =	vmul.f32 v13, v12;
	_ =	sdelay $0x1  }
0xab: {  	v14 =	vmul.f32 v13, v14;
	_ =	sdelay $0x1  }
0xac: {  	v14 =	vsub.f32 $1.500000000e+00, v14;
	_ =	sdelay $0x1  }
0xad: {  	v13 =	vmul.f32 v13, v14;
	_ =	sdelay $0x1  }
0xae: {  	v14 =	vmul.f32 v13, v12;
	_ =	sdelay $0x1  }
0xaf: {  	v14 =	vmul.f32 v14, v13;
	_ =	sdelay $0x1  }
0xb0: {  	v14 =	vsub.f32 $1.500000000e+00, v14;
	_ =	sdelay $0x1  }
0xb1: {  	v13 =	vmul.f32 v14, v13;
	_ =	sdelay $0x1  }
0xb2: {  	v14 =	vmul.f32 v13, v12;
	_ =	sdelay $0x1  }
0xb3: {  	v14 =	vmul.f32 v14, v13;
	_ =	sdelay $0x1  }
0xb4: {  	v14 =	vsub.f32 $1.500000000e+00, v14;
	_ =	sdelay $0x1  }
0xb5: {  	v13 =	vmul.f32 v14, v13;
	_ =	sdelay $0x1  }
0xb6: {  	v12 =	vmul.f32 v13, v12;
	_ =	sdelay $0x1  }
0xb7: {  	v12 =	vmul.f32 v12, v13;
	_ =	sdelay $0x1  }
0xb8: {  	v12 =	vsub.f32 $1.500000000e+00, v12;
	_ =	sdelay $0x1  }
0xb9: {  	v12 =	vmul.f32 v12, v13;
	_ =	sdelay $0x1  }
0xba: {  	v4 =	vmul.f32 v12, v4;
	v6 =	vmul.f32 v12, v6  }
0xbb: {  	v8 =	vmul.f32 v12, v8;
	v10 =	vmul.f32 v12, v10  }
0xbc: {  	[tilespmem:s25+$0x3100] =	vst v4;
	v4 =	vmul.f32 v12, v5;
	v5 =	vmul.f32 v12, v7  }
0xbd: {  	v7 =	vmul.f32 v12, v9;
	v9 =	vmul.f32 v12, v11;
	[tilespmem:s25+$0x3150] =	vst v10  }
0xbe: {  	[tilespmem:s25+$0x3140] =	vst v8  }
0xbf: {  	[tilespmem:s25+$0x3110] =	vst v6  }
0xc0: {  	[tilespmem:s25+$0x3130] =	vst v5  }
0xc1: {  	[tilespmem:s25+$0x3170] =	vst v9  }
0xc2: {  	[tilespmem:s25+$0x3120] =	vst v4  }
0xc3: {  	[tilespmem:s25+$0x3160] =	vst v7  }
0xc4: {  	v4 =	vld [tilespmem:s28+$0x0];
	_ =	sdelay $0x4  }
0xc5: {  	(v2sf) =	vpush v4, $0x0;
	_ =	sdelay $0xc  }
0xc6: {  	v4 =	vld [tilespmem:s24+$0x10]  }
0xc7: {  	v5 =	vld [tilespmem:s24+$0xFFFFFFF0]  }
0xc8: {  	v7 =	vld [tilespmem:s24+$0x0];
	s25 =	spop (v2sf)  }
0xc9: {  	s25 =	ssub.s32 s25, s5;
	v6 =	vld [tilespmem:s24+$0xFFFFFFE0]  }
0xca: {  	s25 =	sshll.u32 s25, $0x9;
	v8 =	vld [tilespmem:s24+$0xFFFFFFD0]  }
0xcb: {  	s25 =	sshra.s32 s25, $0x2;
	v9 =	vld [tilespmem:s24+$0xFFFFFFC0]  }
0xcc: {  	v10 =	vld [tilespmem:s25+$0x3100]  }
0xcd: {  	v11 =	vld [tilespmem:s25+$0x3110]  }
0xce: {  	v12 =	vld [tilespmem:s25+$0x3120]  }
0xcf: {  	v13 =	vld [tilespmem:s25+$0x3140]  }
0xd0: {  	v16 =	vmul.f32 $5.000000000e-01, v4;
	v15 =	vmul.f32 $5.000000000e-01, v5;
	v14 =	vld [tilespmem:s25+$0x3130]  }
0xd1: {  	v5 =	vmul.f32 $5.000000000e-01, v9;
	v4 =	vmul.f32 $5.000000000e-01, v10;
	v9 =	vld [tilespmem:s25+$0x3150]  }
0xd2: {  	v8 =	vmul.f32 $5.000000000e-01, v8;
	v10 =	vmul.f32 $5.000000000e-01, v11  }
0xd3: {  	v11 =	vmul.f32 $5.000000000e-01, v6;
	v4 =	vadd.f32 v5, v4;
	v5 =	vmul.f32 $5.000000000e-01, v12;
	v12 =	vld [tilespmem:s25+$0x3160]  }
0xd4: {  	v7 =	vmul.f32 $5.000000000e-01, v7;
	v6 =	vadd.f32 v8, v10;
	v8 =	vmul.f32 $5.000000000e-01, v13;
	v13 =	vld [tilespmem:s24+$0x20]  }
0xd5: {  	v10 =	vmul.f32 v4, v4;
	v5 =	vadd.f32 v11, v5;
	v11 =	vmul.f32 $5.000000000e-01, v14  }
0xd6: {  	v14 =	vmul.f32 v6, v6;
	v8 =	vadd.f32 v7, v8;
	v9 =	vmul.f32 $5.000000000e-01, v9  }
0xd7: {  	v7 =	vadd.f32 v15, v11  }
0xd8: {  	v11 =	vadd.f32 v14, v10;
	v14 =	vmul.f32 v5, v5;
	v10 =	vadd.f32 v16, v9;
	v15 =	vld [tilespmem:s24+$0x30]  }
0xd9: {  	v9 =	vmul.f32 $5.000000000e-01, v12;
	v12 =	vmul.f32 $5.000000000e-01, v13;
	v13 =	vld [tilespmem:s25+$0x3170]  }
0xda: {  	v11 =	vadd.f32 v14, v11;
	v14 =	vmul.f32 v7, v7  }
0xdb: {  	v9 =	vadd.f32 v12, v9  }
0xdc: {  	v12 =	vmul.f32 v8, v8;
	v11 =	vadd.f32 v14, v11  }
0xdd: {  	v14 =	vmul.f32 v9, v9;
	v15 =	vmul.f32 $5.000000000e-01, v15  }
0xde: {  	v11 =	vadd.f32 v12, v11;
	v12 =	vmul.f32 v10, v10;
	v13 =	vmul.f32 $5.000000000e-01, v13;
	_ =	sdelay $0x1  }
0xdf: {  	v12 =	vadd.f32 v12, v11;
	v11 =	vadd.f32 v15, v13;
	_ =	sdelay $0x1  }
0xe0: {  	v12 =	vadd.f32 v14, v12;
	v13 =	vmul.f32 v11, v11;
	_ =	sdelay $0x1  }
0xe1: {  	v12 =	vadd.f32 v13, v12;
	_ =	sdelay $0x1  }
0xe2: {  	(xrf2) =	vadd.scan.msk.f32 $0xffff, v12;
	_ =	sdelay $0x7  }
.Ltmp9:
0xe3: {  	(pc) =	sbr.rel @p0 .LBB2_9-.Ltmp9, $4  }
0xe4: {  	_ = 	snop  }
0xe5: {  	v12, _, _ =	vpop (xrf2)  }
0xe6: {  	v12 =	vmax.f32 v12, $1.000000020e-24  }
0xe7: {  	v12 =	vbroadcast v12, $0xF  }
.Ltmp10:
0xe8: {  	_ = 	snop;
	(pc) =	sbr.rel .LBB2_10-.Ltmp10, $1  }
0xe9: {  	_ =	sdelay $0x3  }
.LBB2_13:
0xea: {  	_ =	sfence.sel $0x180000  }
0xeb: {  	[bflag:$0x0] =	sbarrier.arrive $0xFFFF  }
0xec: {  	p0 =	sne.s32 s2, $0x0;
	_ =	strace $0x90000047  }
0xed: {  	s0 =	sadd.s32 @!p0 $0x100000, s1;
	[bflag:$0x2] =	sbarrier.arrive $0xFFFF  }
0xee: {  	[sflag:s0] =	ssyncadd.tile.s32 @!p0 $0x1;
	_ =	shalt  }
.Lfunc_end2:
_tile_overlayer_lowered:
.L_overlay_start_2:
0xef: {  	(tag) =	ssettag $0x2  }
0xf0: {  	s0 =	rddreg [dreg:$0x0];
	s2 =	stileid.u32  }
0xf1: {  	s1 =	rddreg [dreg:$0x1];
	p0 =	sne.s32 s2, $0x0  }
0xf2: {  	s3 =	rddreg [dreg:$0x2];
	[bflag:$0x3] =	sbarrier.arrive $0xFFFF;
	s2 =	simm.s32 @!p0 $0x1C02  }
0xf3: {  	[timem:s3], [sflag:s2] =	dma.local @!p0 [hbm:s0], s1  }
0xf4: {  	s0 =	simm.s32 @!p0 $0x2  }
0xf5: {  	_ =	swait.ge @!p0 [sflag:s0], s1  }
0xf6: {  	s1 =	ssub.s32 @!p0 $0x0, s1;
	[sflag:s0] =	ssyncset.done @!p0 $0x0  }
0xf7: {  	[sflag:s0] =	ssyncadd.s32 @!p0 s1  }
0xf8: {  	[bflag:$0x3] =	sbarrier.arrive $0xFFFF  }
0xf9: {  	_ =	shalt  }

</sc_bundles>
